<compile_context>
chip_gen: v7x
topology: tpu7x:2x2x1
jax: 0.10.2.dev20260603
libtpu: 0.0.44.dev20260713+nightly
codegen_flags: <defaults>
</compile_context>

<pallas_src>
import functools

import jax
import jax.numpy as jnp
from jax import lax
from jax.experimental import pallas as pl
from jax.experimental.pallas import tpu as pltpu
from jax.experimental.pallas import tpu_sc as plsc

D = 256
KEV = 100000
PB = 8192
NBLK = -(-KEV // PB)
PADTOT = NBLK * PB
NEG = float("-inf")

NW = 32
SLICE = PADTOT // NW
NCH = SLICE // 16


def _score_body(claim_ref, Wq_ref, bq_ref, Wk_ref, bkc_ref,
                keys_ref, out_ref):
    c0 = claim_ref[0:1, :]
    qr = lax.dot_general(c0, Wq_ref[...], (((1,), (1,)), ((), ())),
                         preferred_element_type=jnp.float32)
    qr = qr + bq_ref[...][None, :]
    qn = qr / jnp.maximum(jnp.sqrt(jnp.sum(qr * qr)), 1e-12)
    zT = lax.dot_general(Wk_ref[...], keys_ref[...], (((1,), (1,)), ((), ())),
                         preferred_element_type=jnp.float32)
    zT = zT + bkc_ref[...]
    num = lax.dot_general(qn, zT, (((1,), (0,)), ((), ())),
                          preferred_element_type=jnp.float32)
    d2 = jnp.sum(zT * zT, axis=0, keepdims=True)
    s = num / jnp.maximum(jnp.sqrt(d2), 1e-12)
    gid = (lax.broadcasted_iota(jnp.int32, (1, PB), 1)
           + pl.program_id(0) * PB)
    out_ref[...] = jnp.where(gid < KEV, s, NEG).reshape(PB)


def _merge16(bk, bi, ck, ci):
    ck, ci = plsc.sort_key_val(ck, ci, descending=True)
    bk, bi = plsc.sort_key_val(bk, bi)
    take = ck >= bk
    return jnp.where(take, ck, bk), jnp.where(take, ci, bi)


def _sc_select(scores_hbm, ck_out, ci_out, chunk_v, stage_k, stage_i):
    wid = lax.axis_index("c") * 16 + lax.axis_index("s")
    pltpu.sync_copy(scores_hbm.at[pl.ds(wid * SLICE, SLICE)], chunk_v)
    lanes = lax.iota(jnp.int32, 16)

    def body(j, carry):
        bk, bi = carry
        v = chunk_v[pl.ds(j * 16, 16)]
        gi = wid * SLICE + j * 16 + lanes
        return _merge16(bk, bi, v, gi)

    bk0 = jnp.full((16,), NEG, jnp.float32)
    bi0 = jnp.zeros((16,), jnp.int32)
    bk, bi = lax.fori_loop(0, NCH, body, (bk0, bi0))
    stage_k[...] = bk
    stage_i[...] = bi
    pltpu.sync_copy(stage_k, ck_out.at[wid])
    pltpu.sync_copy(stage_i, ci_out.at[wid])


def _select_mlp_body(ck_ref, ci_ref, values_ref, claim_ref, V1_ref, c1_ref,
                     V2_ref, c2_ref, retr_ref, ts_ref, cons_ref, conf_ref,
                     k_ref, sem):
    k_ref[...] = ck_ref[...]
    for i in range(5):
        k = k_ref[...]
        m = jnp.max(k)
        idx = jnp.min(jnp.where(k == m, ci_ref[...], KEV))
        ts_ref[i] = m
        cp = pltpu.make_async_copy(values_ref.at[pl.ds(idx, 1), :],
                                   retr_ref.at[pl.ds(i, 1), :], sem)
        cp.start()
        cp.wait()
        k_ref[...] = jnp.where(ci_ref[...] == idx, NEG, k)
    ev = retr_ref[...]
    A = V1_ref[:, 0:D]
    Bm = V1_ref[:, D:2 * D]
    ca = lax.dot_general(claim_ref[...], A, (((1,), (1,)), ((), ())),
                         preferred_element_type=jnp.float32)
    eb = lax.dot_general(ev, Bm, (((1,), (1,)), ((), ())),
                         preferred_element_type=jnp.float32)
    E1 = (lax.broadcasted_iota(jnp.int32, (20, 4), 0) // 5
          == lax.broadcasted_iota(jnp.int32, (20, 4), 1)).astype(jnp.float32)
    E2 = (lax.broadcasted_iota(jnp.int32, (20, 5), 0) % 5
          == lax.broadcasted_iota(jnp.int32, (20, 5), 1)).astype(jnp.float32)
    pairsum = (jnp.dot(E1, ca, preferred_element_type=jnp.float32)
               + jnp.dot(E2, eb, preferred_element_type=jnp.float32)
               + c1_ref[...][None, :])
    h = jnp.maximum(pairsum, 0.0)
    logits = lax.dot_general(h, V2_ref[...], (((1,), (1,)), ((), ())),
                             preferred_element_type=jnp.float32)
    E3 = (lax.broadcasted_iota(jnp.int32, (20, 5), 0) % 5
          == lax.broadcasted_iota(jnp.int32, (20, 5), 1)).astype(jnp.float32)
    E4 = (lax.broadcasted_iota(jnp.int32, (4, 20), 0)
          == lax.broadcasted_iota(jnp.int32, (4, 20), 1) // 5).astype(jnp.float32)
    l45 = jnp.dot(E4, logits * E3, preferred_element_type=jnp.float32)
    cons = jax.nn.sigmoid(l45 + c2_ref[0])
    cons_ref[...] = cons
    conf_ref[0] = jnp.max(cons)


def kernel(claim_embedding, keys, values, Wq, bq, Wk, bk, V1, c1, V2, c2):
    scores = pl.pallas_call(
        _score_body,
        grid=(NBLK,),
        in_specs=[
            pl.BlockSpec((4, D), lambda i: (0, 0)),
            pl.BlockSpec((D, D), lambda i: (0, 0)),
            pl.BlockSpec((D,), lambda i: (0,)),
            pl.BlockSpec((D, D), lambda i: (0, 0)),
            pl.BlockSpec((D, 1), lambda i: (0, 0)),
            pl.BlockSpec((PB, D), lambda i: (i, 0)),
        ],
        out_specs=pl.BlockSpec((PB,), lambda i: (i,)),
        out_shape=jax.ShapeDtypeStruct((PADTOT,), jnp.float32),
    )(claim_embedding, Wq, bq, Wk, bk.reshape(D, 1), keys)

    mesh = plsc.VectorSubcoreMesh(core_axis_name="c", subcore_axis_name="s")
    cand_k, cand_i = pl.kernel(
        _sc_select,
        out_type=[
            jax.ShapeDtypeStruct((NW, 16), jnp.float32),
            jax.ShapeDtypeStruct((NW, 16), jnp.int32),
        ],
        mesh=mesh,
        scratch_types=[
            pltpu.VMEM((SLICE,), jnp.float32),
            pltpu.VMEM((16,), jnp.float32),
            pltpu.VMEM((16,), jnp.int32),
        ],
        compiler_params=pltpu.CompilerParams(needs_layout_passes=False),
    )(scores)

    retr, ts, cons, conf = pl.pallas_call(
        _select_mlp_body,
        in_specs=[
            pl.BlockSpec((NW, 16), lambda: (0, 0)),
            pl.BlockSpec((NW, 16), lambda: (0, 0)),
            pl.BlockSpec(memory_space=pl.ANY),
            pl.BlockSpec((4, D), lambda: (0, 0)),
            pl.BlockSpec((D, 2 * D), lambda: (0, 0)),
            pl.BlockSpec((D,), lambda: (0,)),
            pl.BlockSpec((1, D), lambda: (0, 0)),
            pl.BlockSpec(memory_space=pltpu.SMEM),
        ],
        out_specs=[
            pl.BlockSpec((5, D), lambda: (0, 0)),
            pl.BlockSpec(memory_space=pltpu.SMEM),
            pl.BlockSpec((4, 5), lambda: (0, 0)),
            pl.BlockSpec(memory_space=pltpu.SMEM),
        ],
        out_shape=[
            jax.ShapeDtypeStruct((5, D), jnp.float32),
            jax.ShapeDtypeStruct((5,), jnp.float32),
            jax.ShapeDtypeStruct((4, 5), jnp.float32),
            jax.ShapeDtypeStruct((1,), jnp.float32),
        ],
        scratch_shapes=[
            pltpu.VMEM((NW, 16), jnp.float32),
            pltpu.SemaphoreType.DMA,
        ],
    )(cand_k, cand_i, values, claim_embedding, V1, c1, V2, c2)

    return (retr, ts, cons, conf[0])

# --- scband reference (transcript-rebuilt; emitter-appended) ---
"""Pipeline reference for scband-rarrretriever-8581344657517 (READ-ONLY COPY).

The authoritative reference and input builder live on the scoring server;
editing this copy changes nothing except your own understanding.
"""

import jax, jax.numpy as jnp
import numpy as np

D = 256
K_EV = 100000
B = 4

def _normalize(x, axis=-1, eps=1e-12):
    n = jnp.linalg.norm(x, axis=axis, keepdims=True)
    return x / jnp.maximum(n, eps)

def setup_inputs(seed: int = 0):
    key = jax.random.key(seed)
    ks = jax.random.split(key, 11)
    s = 1.0 / np.sqrt(D)
    s2 = 1.0 / np.sqrt(2 * D)
    u = lambda k, shape, sc: jax.random.uniform(k, shape, jnp.float32, -sc, sc)
    return {
        "claim_embedding": jax.random.normal(ks[0], (B, D), jnp.float32),
        "keys": jax.random.normal(ks[1], (K_EV, D), jnp.float32),
        "values": jax.random.normal(ks[2], (K_EV, D), jnp.float32),
        "Wq": u(ks[3], (D, D), s), "bq": u(ks[4], (D,), s),
        "Wk": u(ks[5], (D, D), s), "bk": u(ks[6], (D,), s),
        "V1": u(ks[7], (D, 2 * D), s2), "c1": u(ks[8], (D,), s2),
        "V2": u(ks[9], (1, D), s), "c2": u(ks[10], (1,), s),
    }

def reference(claim_embedding, keys, values, Wq, bq, Wk, bk, V1, c1, V2, c2):
    # EvidenceRetriever: project + L2-normalize, cosine scores
    q = _normalize(claim_embedding @ Wq.T + bq)
    k = _normalize(keys @ Wk.T + bk)
    scores = q @ k.T  # [B, K_EV]
    # top-5 by row 0 (faithful to torch: scores.argsort(descending=True)[0, :5])
    top_idx = jnp.argsort(-scores, axis=-1)[0, :5]
    retrieved_values = values[top_idx]  # [5, D]
    n_ev = retrieved_values.shape[0]
    # ClaimVerifier: pairwise concat + MLP + sigmoid
    claim_exp = jnp.broadcast_to(claim_embedding[:, None, :], (claim_embedding.shape[0], n_ev, D))
    ev = jnp.broadcast_to(retrieved_values[None, :, :], (claim_embedding.shape[0], n_ev, D))
    pair = jnp.concatenate([claim_exp, ev], axis=-1)  # [B, 5, 2D]
    h = jax.nn.relu(pair @ V1.T + c1)
    consistency = jax.nn.sigmoid(h @ V2.T + c2)[..., 0]  # [B, 5]
    confidence = jax.lax.stop_gradient(jnp.max(consistency))
    top_scores = jax.lax.stop_gradient(scores[0, top_idx])
    return (retrieved_values, top_scores, consistency, confidence)

if __name__ == "__main__":
    import jax
    _d = setup_inputs()
    print(jax.jit(kernel)(*tuple(_d.values())))

</pallas_src>

<mosaic_0001>
#map = affine_map<(d0, d1) -> (0)>
#map1 = affine_map<(d0, d1) -> (0, 0)>
module attributes {stable_mosaic.version = 14 : i64} {
  func.func @_sc_select(%arg0: i32, %arg1: i32, %arg2: memref<106496xf32, #tpu.memory_space<hbm>>, %arg3: memref<32x16xf32, #tpu.memory_space<hbm>>, %arg4: memref<32x16xi32, #tpu.memory_space<hbm>>, %arg5: memref<3328xf32, #tpu.memory_space<vmem>>, %arg6: memref<16xf32, #tpu.memory_space<vmem>>, %arg7: memref<16xi32, #tpu.memory_space<vmem>>) attributes {dimension_semantics = [#tpu.dimension_semantics<core_parallel>, #tpu.dimension_semantics<subcore_parallel>], iteration_bounds = array<i64: 2, 16>, scalar_prefetch = 0 : i64, scratch_operands = 3 : i64, tpu.core_type = #tpu.core_type<sc_vector_subcore>, window_params = [{transform_indices = #map}, {transform_indices = #map1}, {transform_indices = #map1}]} {
    %mul3A = arith.constant 16 : i32
    %mul3A_0 = arith.muli %arg0, %mul3A : i32
    %add3A = arith.addi %mul3A_0, %arg1 : i32
    %mul3A_1 = arith.constant 3328 : i32
    %mul3A_2 = arith.muli %add3A, %mul3A_1 : i32
    "tpu.region"() ({
      %run_scoped3A = tpu.sem_alloc : memref<!tpu.dma_semaphore, #tpu.memory_space<semaphore_mem>>
      %dma_start3A = tpu.memref_slice %arg2[%mul3A_2] : memref<106496xf32, #tpu.memory_space<hbm>> -> memref<3328xf32, #tpu.memory_space<hbm>>
      %dma_start3A_14 = tpu.memref_slice %arg2[%mul3A_2] : memref<106496xf32, #tpu.memory_space<hbm>> -> memref<3328xf32, #tpu.memory_space<hbm>>
      tpu.enqueue_dma source(%dma_start3A_14 : memref<3328xf32, #tpu.memory_space<hbm>>) target(%arg5 : memref<3328xf32, #tpu.memory_space<vmem>>) target_semaphore(%run_scoped3A : memref<!tpu.dma_semaphore, #tpu.memory_space<semaphore_mem>>)
      %dma_wait3A = tpu.memref_slice %arg2[%mul3A_2] : memref<106496xf32, #tpu.memory_space<hbm>> -> memref<3328xf32, #tpu.memory_space<hbm>>
      %dma_wait3A_15 = tpu.memref_slice %arg2[%mul3A_2] : memref<106496xf32, #tpu.memory_space<hbm>> -> memref<3328xf32, #tpu.memory_space<hbm>>
      tpu.wait_dma2 semaphore(%run_scoped3A : memref<!tpu.dma_semaphore, #tpu.memory_space<semaphore_mem>>) src(%dma_wait3A_15 : memref<3328xf32, #tpu.memory_space<hbm>>) dst(%arg5 : memref<3328xf32, #tpu.memory_space<vmem>>)
      tpu.yield
    }) : () -> ()
    %iota3A = tpu.iota {dimensions = array<i32: 0>} : vector<16xi32>
    %broadcast_in_dim3A = arith.constant 0xFF800000 : f32
    %broadcast_in_dim3A_3 = vector.broadcast %broadcast_in_dim3A : f32 to vector<16xf32>
    %broadcast_in_dim3A_4 = arith.constant 0 : i32
    %broadcast_in_dim3A_5 = vector.broadcast %broadcast_in_dim3A_4 : i32 to vector<16xi32>
    %scan3A = arith.constant 0 : i32
    %scan3A_6 = arith.constant 208 : i32
    %scan3A_7 = arith.addi %scan3A, %scan3A_6 : i32
    %scan3A_8 = arith.constant 1 : i32
    %scan3A_9:2 = scf.for %scan3A_14 = %scan3A to %scan3A_7 step %scan3A_8 iter_args(%scan3A_15 = %broadcast_in_dim3A_3, %scan3A_16 = %broadcast_in_dim3A_5) -> (vector<16xf32>, vector<16xi32>)  : i32 {
      %mul3A_17 = arith.constant 16 : i32
      %mul3A_18 = arith.muli %scan3A_14, %mul3A_17 : i32
      %get3A = arith.index_cast %mul3A_18 : i32 to index
      %get3A_19 = tpu.vector_load %arg5[%get3A] {strides = array<i32>} : memref<3328xf32, #tpu.memory_space<vmem>>, vector<16xf32>,
      %mul3A_20 = arith.constant 3328 : i32
      %mul3A_21 = arith.muli %add3A, %mul3A_20 : i32
      %mul3A_22 = arith.constant 16 : i32
      %mul3A_23 = arith.muli %scan3A_14, %mul3A_22 : i32
      %add3A_24 = arith.addi %mul3A_21, %mul3A_23 : i32
      %add3A_25 = vector.broadcast %add3A_24 : i32 to vector<16xi32>
      %add3A_26 = arith.addi %add3A_25, %iota3A : vector<16xi32>
      %masked_sort3A = arith.constant dense<true> : vector<16xi1>
      %masked_sort3A_27, %masked_sort3A_28, %masked_sort3A_29 = tpu.sort %get3A_19, %add3A_26 masked %masked_sort3A {descending = true} : (vector<16xf32>, vector<16xi32>, vector<16xi1>) -> (vector<16xi1>, vector<16xf32>, vector<16xi32>)
      %masked_sort3A_30 = arith.constant dense<true> : vector<16xi1>
      %masked_sort3A_31, %masked_sort3A_32, %masked_sort3A_33 = tpu.sort %scan3A_15, %scan3A_16 masked %masked_sort3A_30 : (vector<16xf32>, vector<16xi32>, vector<16xi1>) -> (vector<16xi1>, vector<16xf32>, vector<16xi32>)
      %ge3A = arith.cmpf oge, %masked_sort3A_28, %masked_sort3A_32 : vector<16xf32>
      %select_n3A = arith.select %ge3A, %masked_sort3A_28, %masked_sort3A_32 : vector<16xi1>, vector<16xf32>
      %select_n3A_34 = arith.select %ge3A, %masked_sort3A_29, %masked_sort3A_33 : vector<16xi1>, vector<16xi32>
      scf.yield %select_n3A, %select_n3A_34 : vector<16xf32>, vector<16xi32>
    }
    %scan3A_10 = arith.constant 208 : i32
    %swap3A = arith.constant 0 : index
    %swap3A_11 = tpu.vector_load %arg6[%swap3A] {strides = array<i32>} : memref<16xf32, #tpu.memory_space<vmem>>, vector<16xf32>,
    tpu.vector_store %arg6[%swap3A], %scan3A_9#0 {strides = array<i32>} : memref<16xf32, #tpu.memory_space<vmem>>, vector<16xf32>,
    %swap3A_12 = arith.constant 0 : index
    %swap3A_13 = tpu.vector_load %arg7[%swap3A_12] {strides = array<i32>} : memref<16xi32, #tpu.memory_space<vmem>>, vector<16xi32>,
    tpu.vector_store %arg7[%swap3A_12], %scan3A_9#1 {strides = array<i32>} : memref<16xi32, #tpu.memory_space<vmem>>, vector<16xi32>,
    "tpu.region"() ({
      %run_scoped3A = tpu.sem_alloc : memref<!tpu.dma_semaphore, #tpu.memory_space<semaphore_mem>>
      %dma_start3A = arith.constant 0 : i32
      %dma_start3A_14 = tpu.memref_slice %arg3[%add3A, %dma_start3A] : memref<32x16xf32, #tpu.memory_space<hbm>> -> memref<1x16xf32, #tpu.memory_space<hbm>>
      %dma_start3A_15 = tpu.memref_squeeze %dma_start3A_14 : memref<1x16xf32, #tpu.memory_space<hbm>> -> memref<16xf32, #tpu.memory_space<hbm>>
      %dma_start3A_16 = arith.constant 0 : i32
      %dma_start3A_17 = tpu.memref_slice %arg3[%add3A, %dma_start3A_16] : memref<32x16xf32, #tpu.memory_space<hbm>> -> memref<1x16xf32, #tpu.memory_space<hbm>>
      %dma_start3A_18 = tpu.memref_squeeze %dma_start3A_17 : memref<1x16xf32, #tpu.memory_space<hbm>> -> memref<16xf32, #tpu.memory_space<hbm>>
      tpu.enqueue_dma source(%arg6 : memref<16xf32, #tpu.memory_space<vmem>>) target(%dma_start3A_18 : memref<16xf32, #tpu.memory_space<hbm>>) target_semaphore(%run_scoped3A : memref<!tpu.dma_semaphore, #tpu.memory_space<semaphore_mem>>)
      %dma_wait3A = arith.constant 0 : i32
      %dma_wait3A_19 = tpu.memref_slice %arg3[%add3A, %dma_wait3A] : memref<32x16xf32, #tpu.memory_space<hbm>> -> memref<1x16xf32, #tpu.memory_space<hbm>>
      %dma_wait3A_20 = tpu.memref_squeeze %dma_wait3A_19 : memref<1x16xf32, #tpu.memory_space<hbm>> -> memref<16xf32, #tpu.memory_space<hbm>>
      %dma_wait3A_21 = arith.constant 0 : i32
      %dma_wait3A_22 = tpu.memref_slice %arg3[%add3A, %dma_wait3A_21] : memref<32x16xf32, #tpu.memory_space<hbm>> -> memref<1x16xf32, #tpu.memory_space<hbm>>
      %dma_wait3A_23 = tpu.memref_squeeze %dma_wait3A_22 : memref<1x16xf32, #tpu.memory_space<hbm>> -> memref<16xf32, #tpu.memory_space<hbm>>
      tpu.wait_dma2 semaphore(%run_scoped3A : memref<!tpu.dma_semaphore, #tpu.memory_space<semaphore_mem>>) src(%arg6 : memref<16xf32, #tpu.memory_space<vmem>>) dst(%dma_wait3A_23 : memref<16xf32, #tpu.memory_space<hbm>>)
      tpu.yield
    }) : () -> ()
    "tpu.region"() ({
      %run_scoped3A = tpu.sem_alloc : memref<!tpu.dma_semaphore, #tpu.memory_space<semaphore_mem>>
      %dma_start3A = arith.constant 0 : i32
      %dma_start3A_14 = tpu.memref_slice %arg4[%add3A, %dma_start3A] : memref<32x16xi32, #tpu.memory_space<hbm>> -> memref<1x16xi32, #tpu.memory_space<hbm>>
      %dma_start3A_15 = tpu.memref_squeeze %dma_start3A_14 : memref<1x16xi32, #tpu.memory_space<hbm>> -> memref<16xi32, #tpu.memory_space<hbm>>
      %dma_start3A_16 = arith.constant 0 : i32
      %dma_start3A_17 = tpu.memref_slice %arg4[%add3A, %dma_start3A_16] : memref<32x16xi32, #tpu.memory_space<hbm>> -> memref<1x16xi32, #tpu.memory_space<hbm>>
      %dma_start3A_18 = tpu.memref_squeeze %dma_start3A_17 : memref<1x16xi32, #tpu.memory_space<hbm>> -> memref<16xi32, #tpu.memory_space<hbm>>
      tpu.enqueue_dma source(%arg7 : memref<16xi32, #tpu.memory_space<vmem>>) target(%dma_start3A_18 : memref<16xi32, #tpu.memory_space<hbm>>) target_semaphore(%run_scoped3A : memref<!tpu.dma_semaphore, #tpu.memory_space<semaphore_mem>>)
      %dma_wait3A = arith.constant 0 : i32
      %dma_wait3A_19 = tpu.memref_slice %arg4[%add3A, %dma_wait3A] : memref<32x16xi32, #tpu.memory_space<hbm>> -> memref<1x16xi32, #tpu.memory_space<hbm>>
      %dma_wait3A_20 = tpu.memref_squeeze %dma_wait3A_19 : memref<1x16xi32, #tpu.memory_space<hbm>> -> memref<16xi32, #tpu.memory_space<hbm>>
      %dma_wait3A_21 = arith.constant 0 : i32
      %dma_wait3A_22 = tpu.memref_slice %arg4[%add3A, %dma_wait3A_21] : memref<32x16xi32, #tpu.memory_space<hbm>> -> memref<1x16xi32, #tpu.memory_space<hbm>>
      %dma_wait3A_23 = tpu.memref_squeeze %dma_wait3A_22 : memref<1x16xi32, #tpu.memory_space<hbm>> -> memref<16xi32, #tpu.memory_space<hbm>>
      tpu.wait_dma2 semaphore(%run_scoped3A : memref<!tpu.dma_semaphore, #tpu.memory_space<semaphore_mem>>) src(%arg7 : memref<16xi32, #tpu.memory_space<vmem>>) dst(%dma_wait3A_23 : memref<16xi32, #tpu.memory_space<hbm>>)
      tpu.yield
    }) : () -> ()
    return
  }
}

module attributes {stable_mosaic.version = 14 : i64} {
  func.func @_score_body(%arg0: i32, %arg1: memref<4x256xf32, #tpu.memory_space<vmem>>, %arg2: memref<256x256xf32, #tpu.memory_space<vmem>>, %arg3: memref<256xf32, #tpu.memory_space<vmem>>, %arg4: memref<256x256xf32, #tpu.memory_space<vmem>>, %arg5: memref<256x1xf32, #tpu.memory_space<vmem>>, %arg6: memref<8192x256xf32, #tpu.memory_space<vmem>>, %arg7: memref<8192xf32, #tpu.memory_space<vmem>>) attributes {dimension_semantics = [#tpu.dimension_semantics<arbitrary>], iteration_bounds = array<i64: 13>, scalar_prefetch = 0 : i64, scratch_operands = 0 : i64, tpu.core_type = #tpu.core_type<tc>, window_params = [{pipeline_mode = #tpu.pipeline_mode<synchronous>, transform_indices = @transform_0, window_bounds = array<i64: 4, 256>}, {pipeline_mode = #tpu.pipeline_mode<synchronous>, transform_indices = @transform_1, window_bounds = array<i64: 256, 256>}, {pipeline_mode = #tpu.pipeline_mode<synchronous>, transform_indices = @transform_2, window_bounds = array<i64: 256>}, {pipeline_mode = #tpu.pipeline_mode<synchronous>, transform_indices = @transform_3, window_bounds = array<i64: 256, 256>}, {pipeline_mode = #tpu.pipeline_mode<synchronous>, transform_indices = @transform_4, window_bounds = array<i64: 256, 1>}, {transform_indices = @transform_5, window_bounds = array<i64: 8192, 256>}, {transform_indices = @transform_6, window_bounds = array<i64: 8192>}]} {
    %get3A = arith.constant 0 : index
    %get3A_0 = arith.constant 0 : index
    %get3A_1 = vector.load %arg1[%get3A, %get3A_0] : memref<4x256xf32, #tpu.memory_space<vmem>>, vector<1x256xf32>
    %get3A_2 = arith.constant 0 : index
    %get3A_3 = arith.constant 0 : index
    %get3A_4 = vector.load %arg2[%get3A_2, %get3A_3] : memref<256x256xf32, #tpu.memory_space<vmem>>, vector<256x256xf32>
    %dot_general3A = arith.constant dense<0.000000e+00> : vector<1x256xf32>
    %dot_general3A_5 = tpu.matmul %get3A_1, %get3A_4, %dot_general3A {dimension_numbers = #tpu.dot_dimension_numbers<[1], [1], [0], [0], [0, 0, 1, 0], [], []>, transpose_lhs_hint = false} : vector<1x256xf32>, vector<256x256xf32>, vector<1x256xf32> -> vector<1x256xf32>
    %get3A_6 = arith.constant 0 : index
    %get3A_7 = vector.load %arg3[%get3A_6] : memref<256xf32, #tpu.memory_space<vmem>>, vector<256xf32>
    %broadcast_in_dim3A = vector.shape_cast %get3A_7 : vector<256xf32> to vector<1x256xf32>
    %add3A = arith.addf %dot_general3A_5, %broadcast_in_dim3A : vector<1x256xf32>
    %mul3A = arith.mulf %add3A, %add3A : vector<1x256xf32>
    %reduce_sum3A = vector.shape_cast %mul3A : vector<1x256xf32> to vector<1x1x256xf32>
    %reduce_sum3A_8 = arith.constant dense<0.000000e+00> : vector<1xf32>
    %reduce_sum3A_9 = vector.multi_reduction <add>, %reduce_sum3A, %reduce_sum3A_8 [1, 2] : vector<1x1x256xf32> to vector<1xf32>
    %reduce_sum3A_10 = vector.shape_cast %reduce_sum3A_9 : vector<1xf32> to vector<1x1x1xf32>
    %reduce_sum3A_11 = vector.extract %reduce_sum3A_10[0, 0, 0] : f32 from vector<1x1x1xf32>
    %sqrt3A = math.sqrt %reduce_sum3A_11 : f32
    %max3A = arith.constant 9.99999996E-13 : f32
    %max3A_12 = arith.maximumf %sqrt3A, %max3A : f32
    %div3A = vector.broadcast %max3A_12 : f32 to vector<1x256xf32>
    %div3A_13 = arith.divf %add3A, %div3A : vector<1x256xf32>
    %get3A_14 = arith.constant 0 : index
    %get3A_15 = arith.constant 0 : index
    %get3A_16 = vector.load %arg4[%get3A_14, %get3A_15] : memref<256x256xf32, #tpu.memory_space<vmem>>, vector<256x256xf32>
    %get3A_17 = arith.constant 0 : index
    %get3A_18 = arith.constant 0 : index
    %get3A_19 = vector.load %arg6[%get3A_17, %get3A_18] : memref<8192x256xf32, #tpu.memory_space<vmem>>, vector<8192x256xf32>
    %dot_general3A_20 = arith.constant dense<0.000000e+00> : vector<256x8192xf32>
    %dot_general3A_21 = tpu.matmul %get3A_16, %get3A_19, %dot_general3A_20 {dimension_numbers = #tpu.dot_dimension_numbers<[1], [1], [0], [0], [0, 0, 1, 0], [], []>, transpose_lhs_hint = false} : vector<256x256xf32>, vector<8192x256xf32>, vector<256x8192xf32> -> vector<256x8192xf32>
    %get3A_22 = arith.constant 0 : index
    %get3A_23 = arith.constant 0 : index
    %get3A_24 = vector.load %arg5[%get3A_22, %get3A_23] : memref<256x1xf32, #tpu.memory_space<vmem>>, vector<256x1xf32>
    %add3A_25 = vector.broadcast %get3A_24 : vector<256x1xf32> to vector<256x8192xf32>
    %add3A_26 = arith.addf %dot_general3A_21, %add3A_25 : vector<256x8192xf32>
    %dot_general3A_27 = arith.constant dense<0.000000e+00> : vector<1x8192xf32>
    %dot_general3A_28 = tpu.matmul %div3A_13, %add3A_26, %dot_general3A_27 {dimension_numbers = #tpu.dot_dimension_numbers<[1], [0], [0], [1], [0, 0, 1, 1], [], []>, transpose_lhs_hint = false} : vector<1x256xf32>, vector<256x8192xf32>, vector<1x8192xf32> -> vector<1x8192xf32>
    %mul3A_29 = arith.mulf %add3A_26, %add3A_26 : vector<256x8192xf32>
    %reduce_sum3A_30 = arith.constant dense<0.000000e+00> : vector<8192xf32>
    %reduce_sum3A_31 = vector.multi_reduction <add>, %mul3A_29, %reduce_sum3A_30 [0] : vector<256x8192xf32> to vector<8192xf32>
    %broadcast_in_dim3A_32 = vector.shape_cast %reduce_sum3A_31 : vector<8192xf32> to vector<1x8192xf32>
    %sqrt3A_33 = math.sqrt %broadcast_in_dim3A_32 : vector<1x8192xf32>
    %max3A_34 = arith.constant 9.99999996E-13 : f32
    %max3A_35 = vector.broadcast %max3A_34 : f32 to vector<1x8192xf32>
    %max3A_36 = arith.maximumf %sqrt3A_33, %max3A_35 : vector<1x8192xf32>
    %div3A_37 = arith.divf %dot_general3A_28, %max3A_36 : vector<1x8192xf32>
    %iota3A = tpu.iota {dimensions = array<i32: 1>} : vector<1x8192xi32>
    %mul3A_38 = arith.constant 8192 : i32
    %mul3A_39 = arith.muli %arg0, %mul3A_38 : i32
    %add3A_40 = vector.broadcast %mul3A_39 : i32 to vector<1x8192xi32>
    %add3A_41 = arith.addi %iota3A, %add3A_40 : vector<1x8192xi32>
    %lt3A = arith.constant 100000 : i32
    %lt3A_42 = vector.broadcast %lt3A : i32 to vector<1x8192xi32>
    %lt3A_43 = arith.cmpi slt, %add3A_41, %lt3A_42 : vector<1x8192xi32>
    %jit3A = arith.constant 0xFF800000 : f32
    %broadcast_in_dim3A_44 = vector.broadcast %jit3A : f32 to vector<1x8192xf32>
    %select_n3A = arith.select %lt3A_43, %div3A_37, %broadcast_in_dim3A_44 : vector<1x8192xi1>, vector<1x8192xf32>
    %reshape3A = vector.shape_cast %select_n3A : vector<1x8192xf32> to vector<8192xf32>
    %swap3A = arith.constant 0 : index
    %swap3A_45 = vector.load %arg7[%swap3A] : memref<8192xf32, #tpu.memory_space<vmem>>, vector<8192xf32>
    tpu.vector_store %arg7[%swap3A], %reshape3A {strides = array<i32>} : memref<8192xf32, #tpu.memory_space<vmem>>, vector<8192xf32>,
    return
  }
  func.func @transform_0(%arg0: i32) -> (i32, i32) {
    %c0_i32 = arith.constant 0 : i32
    %c0_i32_0 = arith.constant 0 : i32
    %c0_i32_1 = arith.constant 0 : i32
    return %c0_i32, %c0_i32_0 : i32, i32
  }
  func.func @transform_1(%arg0: i32) -> (i32, i32) {
    %c0_i32 = arith.constant 0 : i32
    %c0_i32_0 = arith.constant 0 : i32
    %c0_i32_1 = arith.constant 0 : i32
    return %c0_i32, %c0_i32_0 : i32, i32
  }
  func.func @transform_2(%arg0: i32) -> i32 {
    %c0_i32 = arith.constant 0 : i32
    %c0_i32_0 = arith.constant 0 : i32
    return %c0_i32 : i32
  }
  func.func @transform_3(%arg0: i32) -> (i32, i32) {
    %c0_i32 = arith.constant 0 : i32
    %c0_i32_0 = arith.constant 0 : i32
    %c0_i32_1 = arith.constant 0 : i32
    return %c0_i32, %c0_i32_0 : i32, i32
  }
  func.func @transform_4(%arg0: i32) -> (i32, i32) {
    %c0_i32 = arith.constant 0 : i32
    %c0_i32_0 = arith.constant 0 : i32
    %c0_i32_1 = arith.constant 0 : i32
    return %c0_i32, %c0_i32_0 : i32, i32
  }
  func.func @transform_5(%arg0: i32) -> (i32, i32) {
    %c0_i32 = arith.constant 0 : i32
    %c0_i32_0 = arith.constant 0 : i32
    return %arg0, %c0_i32 : i32, i32
  }
  func.func @transform_6(%arg0: i32) -> i32 {
    %c0_i32 = arith.constant 0 : i32
    return %arg0 : i32
  }
}

module attributes {stable_mosaic.version = 14 : i64} {
  func.func @_select_mlp_body(%arg0: memref<32x16xf32, #tpu.memory_space<vmem>>, %arg1: memref<32x16xi32, #tpu.memory_space<vmem>>, %arg2: memref<100000x256xf32, #tpu.memory_space<any>>, %arg3: memref<4x256xf32, #tpu.memory_space<vmem>>, %arg4: memref<256x512xf32, #tpu.memory_space<vmem>>, %arg5: memref<256xf32, #tpu.memory_space<vmem>>, %arg6: memref<1x256xf32, #tpu.memory_space<vmem>>, %arg7: memref<1xf32, #tpu.memory_space<smem>>, %arg8: memref<5x256xf32, #tpu.memory_space<vmem>>, %arg9: memref<5xf32, #tpu.memory_space<smem>>, %arg10: memref<4x5xf32, #tpu.memory_space<vmem>>, %arg11: memref<1xf32, #tpu.memory_space<smem>>, %arg12: memref<32x16xf32, #tpu.memory_space<vmem>>, %arg13: memref<!tpu.dma_semaphore, #tpu.memory_space<semaphore_mem>>) attributes {dimension_semantics = [], scalar_prefetch = 0 : i64, scratch_operands = 2 : i64, tpu.core_type = #tpu.core_type<tc>} {
    %get3A = arith.constant 0 : index
    %get3A_0 = arith.constant 0 : index
    %get3A_1 = vector.load %arg0[%get3A, %get3A_0] : memref<32x16xf32, #tpu.memory_space<vmem>>, vector<32x16xf32>
    %swap3A = arith.constant 0 : index
    %swap3A_2 = arith.constant 0 : index
    %swap3A_3 = vector.load %arg12[%swap3A, %swap3A_2] : memref<32x16xf32, #tpu.memory_space<vmem>>, vector<32x16xf32>
    tpu.vector_store %arg12[%swap3A, %swap3A_2], %get3A_1 {strides = array<i32>} : memref<32x16xf32, #tpu.memory_space<vmem>>, vector<32x16xf32>,
    %get3A_4 = arith.constant 0 : index
    %get3A_5 = arith.constant 0 : index
    %get3A_6 = vector.load %arg12[%get3A_4, %get3A_5] : memref<32x16xf32, #tpu.memory_space<vmem>>, vector<32x16xf32>
    %reduce_max3A = vector.shape_cast %get3A_6 : vector<32x16xf32> to vector<1x32x16xf32>
    %reduce_max3A_7 = arith.constant dense<0xFF800000> : vector<1xf32>
    %reduce_max3A_8 = vector.multi_reduction <maximumf>, %reduce_max3A, %reduce_max3A_7 [1, 2] : vector<1x32x16xf32> to vector<1xf32>
    %reduce_max3A_9 = vector.shape_cast %reduce_max3A_8 : vector<1xf32> to vector<1x1x1xf32>
    %reduce_max3A_10 = vector.extract %reduce_max3A_9[0, 0, 0] : f32 from vector<1x1x1xf32>
    %eq3A = vector.broadcast %reduce_max3A_10 : f32 to vector<32x16xf32>
    %eq3A_11 = arith.cmpf oeq, %get3A_6, %eq3A : vector<32x16xf32>
    %get3A_12 = arith.constant 0 : index
    %get3A_13 = arith.constant 0 : index
    %get3A_14 = vector.load %arg1[%get3A_12, %get3A_13] : memref<32x16xi32, #tpu.memory_space<vmem>>, vector<32x16xi32>
    %jit3A = arith.constant 100000 : i32
    %broadcast_in_dim3A = vector.broadcast %jit3A : i32 to vector<32x16xi32>
    %select_n3A = arith.select %eq3A_11, %get3A_14, %broadcast_in_dim3A : vector<32x16xi1>, vector<32x16xi32>
    %reduce_min3A = vector.shape_cast %select_n3A : vector<32x16xi32> to vector<1x32x16xi32>
    %reduce_min3A_15 = arith.constant dense<2147483647> : vector<1xi32>
    %reduce_min3A_16 = vector.multi_reduction <minsi>, %reduce_min3A, %reduce_min3A_15 [1, 2] : vector<1x32x16xi32> to vector<1xi32>
    %reduce_min3A_17 = vector.shape_cast %reduce_min3A_16 : vector<1xi32> to vector<1x1x1xi32>
    %reduce_min3A_18 = vector.extract %reduce_min3A_17[0, 0, 0] : i32 from vector<1x1x1xi32>
    %swap3A_19 = arith.constant 0 : index
    %swap3A_20 = memref.load %arg9[%swap3A_19] : memref<5xf32, #tpu.memory_space<smem>>
    memref.store %reduce_max3A_10, %arg9[%swap3A_19] : memref<5xf32, #tpu.memory_space<smem>>
    %dma_start3A = arith.constant 0 : i32
    %dma_start3A_21 = arith.constant 0 : i32
    %dma_start3A_22 = tpu.memref_slice %arg8[%dma_start3A, %dma_start3A_21] : memref<5x256xf32, #tpu.memory_space<vmem>> -> memref<1x256xf32, #tpu.memory_space<vmem>>
    %dma_start3A_23 = arith.constant 0 : i32
    %dma_start3A_24 = tpu.memref_slice %arg2[%reduce_min3A_18, %dma_start3A_23] : memref<100000x256xf32, #tpu.memory_space<any>> -> memref<1x256xf32, #tpu.memory_space<any>>
    tpu.enqueue_dma source(%dma_start3A_24 : memref<1x256xf32, #tpu.memory_space<any>>) target(%dma_start3A_22 : memref<1x256xf32, #tpu.memory_space<vmem>>) target_semaphore(%arg13 : memref<!tpu.dma_semaphore, #tpu.memory_space<semaphore_mem>>)
    %dma_wait3A = arith.constant 0 : i32
    %dma_wait3A_25 = arith.constant 0 : i32
    %dma_wait3A_26 = tpu.memref_slice %arg8[%dma_wait3A, %dma_wait3A_25] : memref<5x256xf32, #tpu.memory_space<vmem>> -> memref<1x256xf32, #tpu.memory_space<vmem>>
    %dma_wait3A_27 = arith.constant 0 : i32
    %dma_wait3A_28 = tpu.memref_slice %arg2[%reduce_min3A_18, %dma_wait3A_27] : memref<100000x256xf32, #tpu.memory_space<any>> -> memref<1x256xf32, #tpu.memory_space<any>>
    tpu.wait_dma2 semaphore(%arg13 : memref<!tpu.dma_semaphore, #tpu.memory_space<semaphore_mem>>) src(%dma_wait3A_28 : memref<1x256xf32, #tpu.memory_space<any>>) dst(%dma_wait3A_26 : memref<1x256xf32, #tpu.memory_space<vmem>>)
    %get3A_29 = arith.constant 0 : index
    %get3A_30 = arith.constant 0 : index
    %get3A_31 = vector.load %arg1[%get3A_29, %get3A_30] : memref<32x16xi32, #tpu.memory_space<vmem>>, vector<32x16xi32>
    %eq3A_32 = vector.broadcast %reduce_min3A_18 : i32 to vector<32x16xi32>
    %eq3A_33 = arith.cmpi eq, %get3A_31, %eq3A_32 : vector<32x16xi32>
    %jit3A_34 = arith.constant 0xFF800000 : f32
    %broadcast_in_dim3A_35 = vector.broadcast %jit3A_34 : f32 to vector<32x16xf32>
    %select_n3A_36 = arith.select %eq3A_33, %broadcast_in_dim3A_35, %get3A_6 : vector<32x16xi1>, vector<32x16xf32>
    %swap3A_37 = arith.constant 0 : index
    %swap3A_38 = arith.constant 0 : index
    %swap3A_39 = vector.load %arg12[%swap3A_37, %swap3A_38] : memref<32x16xf32, #tpu.memory_space<vmem>>, vector<32x16xf32>
    tpu.vector_store %arg12[%swap3A_37, %swap3A_38], %select_n3A_36 {strides = array<i32>} : memref<32x16xf32, #tpu.memory_space<vmem>>, vector<32x16xf32>,
    %get3A_40 = arith.constant 0 : index
    %get3A_41 = arith.constant 0 : index
    %get3A_42 = vector.load %arg12[%get3A_40, %get3A_41] : memref<32x16xf32, #tpu.memory_space<vmem>>, vector<32x16xf32>
    %reduce_max3A_43 = vector.shape_cast %get3A_42 : vector<32x16xf32> to vector<1x32x16xf32>
    %reduce_max3A_44 = arith.constant dense<0xFF800000> : vector<1xf32>
    %reduce_max3A_45 = vector.multi_reduction <maximumf>, %reduce_max3A_43, %reduce_max3A_44 [1, 2] : vector<1x32x16xf32> to vector<1xf32>
    %reduce_max3A_46 = vector.shape_cast %reduce_max3A_45 : vector<1xf32> to vector<1x1x1xf32>
    %reduce_max3A_47 = vector.extract %reduce_max3A_46[0, 0, 0] : f32 from vector<1x1x1xf32>
    %eq3A_48 = vector.broadcast %reduce_max3A_47 : f32 to vector<32x16xf32>
    %eq3A_49 = arith.cmpf oeq, %get3A_42, %eq3A_48 : vector<32x16xf32>
    %get3A_50 = arith.constant 0 : index
    %get3A_51 = arith.constant 0 : index
    %get3A_52 = vector.load %arg1[%get3A_50, %get3A_51] : memref<32x16xi32, #tpu.memory_space<vmem>>, vector<32x16xi32>
    %jit3A_53 = arith.constant 100000 : i32
    %broadcast_in_dim3A_54 = vector.broadcast %jit3A_53 : i32 to vector<32x16xi32>
    %select_n3A_55 = arith.select %eq3A_49, %get3A_52, %broadcast_in_dim3A_54 : vector<32x16xi1>, vector<32x16xi32>
    %reduce_min3A_56 = vector.shape_cast %select_n3A_55 : vector<32x16xi32> to vector<1x32x16xi32>
    %reduce_min3A_57 = arith.constant dense<2147483647> : vector<1xi32>
    %reduce_min3A_58 = vector.multi_reduction <minsi>, %reduce_min3A_56, %reduce_min3A_57 [1, 2] : vector<1x32x16xi32> to vector<1xi32>
    %reduce_min3A_59 = vector.shape_cast %reduce_min3A_58 : vector<1xi32> to vector<1x1x1xi32>
    %reduce_min3A_60 = vector.extract %reduce_min3A_59[0, 0, 0] : i32 from vector<1x1x1xi32>
    %swap3A_61 = arith.constant 1 : index
    %swap3A_62 = memref.load %arg9[%swap3A_61] : memref<5xf32, #tpu.memory_space<smem>>
    memref.store %reduce_max3A_47, %arg9[%swap3A_61] : memref<5xf32, #tpu.memory_space<smem>>
    %dma_start3A_63 = arith.constant 1 : i32
    %dma_start3A_64 = arith.constant 0 : i32
    %dma_start3A_65 = tpu.memref_slice %arg8[%dma_start3A_63, %dma_start3A_64] : memref<5x256xf32, #tpu.memory_space<vmem>> -> memref<1x256xf32, #tpu.memory_space<vmem>>
    %dma_start3A_66 = arith.constant 0 : i32
    %dma_start3A_67 = tpu.memref_slice %arg2[%reduce_min3A_60, %dma_start3A_66] : memref<100000x256xf32, #tpu.memory_space<any>> -> memref<1x256xf32, #tpu.memory_space<any>>
    tpu.enqueue_dma source(%dma_start3A_67 : memref<1x256xf32, #tpu.memory_space<any>>) target(%dma_start3A_65 : memref<1x256xf32, #tpu.memory_space<vmem>>) target_semaphore(%arg13 : memref<!tpu.dma_semaphore, #tpu.memory_space<semaphore_mem>>)
    %dma_wait3A_68 = arith.constant 1 : i32
    %dma_wait3A_69 = arith.constant 0 : i32
    %dma_wait3A_70 = tpu.memref_slice %arg8[%dma_wait3A_68, %dma_wait3A_69] : memref<5x256xf32, #tpu.memory_space<vmem>> -> memref<1x256xf32, #tpu.memory_space<vmem>>
    %dma_wait3A_71 = arith.constant 0 : i32
    %dma_wait3A_72 = tpu.memref_slice %arg2[%reduce_min3A_60, %dma_wait3A_71] : memref<100000x256xf32, #tpu.memory_space<any>> -> memref<1x256xf32, #tpu.memory_space<any>>
    tpu.wait_dma2 semaphore(%arg13 : memref<!tpu.dma_semaphore, #tpu.memory_space<semaphore_mem>>) src(%dma_wait3A_72 : memref<1x256xf32, #tpu.memory_space<any>>) dst(%dma_wait3A_70 : memref<1x256xf32, #tpu.memory_space<vmem>>)
    %get3A_73 = arith.constant 0 : index
    %get3A_74 = arith.constant 0 : index
    %get3A_75 = vector.load %arg1[%get3A_73, %get3A_74] : memref<32x16xi32, #tpu.memory_space<vmem>>, vector<32x16xi32>
    %eq3A_76 = vector.broadcast %reduce_min3A_60 : i32 to vector<32x16xi32>
    %eq3A_77 = arith.cmpi eq, %get3A_75, %eq3A_76 : vector<32x16xi32>
    %jit3A_78 = arith.constant 0xFF800000 : f32
    %broadcast_in_dim3A_79 = vector.broadcast %jit3A_78 : f32 to vector<32x16xf32>
    %select_n3A_80 = arith.select %eq3A_77, %broadcast_in_dim3A_79, %get3A_42 : vector<32x16xi1>, vector<32x16xf32>
    %swap3A_81 = arith.constant 0 : index
    %swap3A_82 = arith.constant 0 : index
    %swap3A_83 = vector.load %arg12[%swap3A_81, %swap3A_82] : memref<32x16xf32, #tpu.memory_space<vmem>>, vector<32x16xf32>
    tpu.vector_store %arg12[%swap3A_81, %swap3A_82], %select_n3A_80 {strides = array<i32>} : memref<32x16xf32, #tpu.memory_space<vmem>>, vector<32x16xf32>,
    %get3A_84 = arith.constant 0 : index
    %get3A_85 = arith.constant 0 : index
    %get3A_86 = vector.load %arg12[%get3A_84, %get3A_85] : memref<32x16xf32, #tpu.memory_space<vmem>>, vector<32x16xf32>
    %reduce_max3A_87 = vector.shape_cast %get3A_86 : vector<32x16xf32> to vector<1x32x16xf32>
    %reduce_max3A_88 = arith.constant dense<0xFF800000> : vector<1xf32>
    %reduce_max3A_89 = vector.multi_reduction <maximumf>, %reduce_max3A_87, %reduce_max3A_88 [1, 2] : vector<1x32x16xf32> to vector<1xf32>
    %reduce_max3A_90 = vector.shape_cast %reduce_max3A_89 : vector<1xf32> to vector<1x1x1xf32>
    %reduce_max3A_91 = vector.extract %reduce_max3A_90[0, 0, 0] : f32 from vector<1x1x1xf32>
    %eq3A_92 = vector.broadcast %reduce_max3A_91 : f32 to vector<32x16xf32>
    %eq3A_93 = arith.cmpf oeq, %get3A_86, %eq3A_92 : vector<32x16xf32>
    %get3A_94 = arith.constant 0 : index
    %get3A_95 = arith.constant 0 : index
    %get3A_96 = vector.load %arg1[%get3A_94, %get3A_95] : memref<32x16xi32, #tpu.memory_space<vmem>>, vector<32x16xi32>
    %jit3A_97 = arith.constant 100000 : i32
    %broadcast_in_dim3A_98 = vector.broadcast %jit3A_97 : i32 to vector<32x16xi32>
    %select_n3A_99 = arith.select %eq3A_93, %get3A_96, %broadcast_in_dim3A_98 : vector<32x16xi1>, vector<32x16xi32>
    %reduce_min3A_100 = vector.shape_cast %select_n3A_99 : vector<32x16xi32> to vector<1x32x16xi32>
    %reduce_min3A_101 = arith.constant dense<2147483647> : vector<1xi32>
    %reduce_min3A_102 = vector.multi_reduction <minsi>, %reduce_min3A_100, %reduce_min3A_101 [1, 2] : vector<1x32x16xi32> to vector<1xi32>
    %reduce_min3A_103 = vector.shape_cast %reduce_min3A_102 : vector<1xi32> to vector<1x1x1xi32>
    %reduce_min3A_104 = vector.extract %reduce_min3A_103[0, 0, 0] : i32 from vector<1x1x1xi32>
    %swap3A_105 = arith.constant 2 : index
    %swap3A_106 = memref.load %arg9[%swap3A_105] : memref<5xf32, #tpu.memory_space<smem>>
    memref.store %reduce_max3A_91, %arg9[%swap3A_105] : memref<5xf32, #tpu.memory_space<smem>>
    %dma_start3A_107 = arith.constant 2 : i32
    %dma_start3A_108 = arith.constant 0 : i32
    %dma_start3A_109 = tpu.memref_slice %arg8[%dma_start3A_107, %dma_start3A_108] : memref<5x256xf32, #tpu.memory_space<vmem>> -> memref<1x256xf32, #tpu.memory_space<vmem>>
    %dma_start3A_110 = arith.constant 0 : i32
    %dma_start3A_111 = tpu.memref_slice %arg2[%reduce_min3A_104, %dma_start3A_110] : memref<100000x256xf32, #tpu.memory_space<any>> -> memref<1x256xf32, #tpu.memory_space<any>>
    tpu.enqueue_dma source(%dma_start3A_111 : memref<1x256xf32, #tpu.memory_space<any>>) target(%dma_start3A_109 : memref<1x256xf32, #tpu.memory_space<vmem>>) target_semaphore(%arg13 : memref<!tpu.dma_semaphore, #tpu.memory_space<semaphore_mem>>)
    %dma_wait3A_112 = arith.constant 2 : i32
    %dma_wait3A_113 = arith.constant 0 : i32
    %dma_wait3A_114 = tpu.memref_slice %arg8[%dma_wait3A_112, %dma_wait3A_113] : memref<5x256xf32, #tpu.memory_space<vmem>> -> memref<1x256xf32, #tpu.memory_space<vmem>>
    %dma_wait3A_115 = arith.constant 0 : i32
    %dma_wait3A_116 = tpu.memref_slice %arg2[%reduce_min3A_104, %dma_wait3A_115] : memref<100000x256xf32, #tpu.memory_space<any>> -> memref<1x256xf32, #tpu.memory_space<any>>
    tpu.wait_dma2 semaphore(%arg13 : memref<!tpu.dma_semaphore, #tpu.memory_space<semaphore_mem>>) src(%dma_wait3A_116 : memref<1x256xf32, #tpu.memory_space<any>>) dst(%dma_wait3A_114 : memref<1x256xf32, #tpu.memory_space<vmem>>)
    %get3A_117 = arith.constant 0 : index
    %get3A_118 = arith.constant 0 : index
    %get3A_119 = vector.load %arg1[%get3A_117, %get3A_118] : memref<32x16xi32, #tpu.memory_space<vmem>>, vector<32x16xi32>
    %eq3A_120 = vector.broadcast %reduce_min3A_104 : i32 to vector<32x16xi32>
    %eq3A_121 = arith.cmpi eq, %get3A_119, %eq3A_120 : vector<32x16xi32>
    %jit3A_122 = arith.constant 0xFF800000 : f32
    %broadcast_in_dim3A_123 = vector.broadcast %jit3A_122 : f32 to vector<32x16xf32>
    %select_n3A_124 = arith.select %eq3A_121, %broadcast_in_dim3A_123, %get3A_86 : vector<32x16xi1>, vector<32x16xf32>
    %swap3A_125 = arith.constant 0 : index
    %swap3A_126 = arith.constant 0 : index
    %swap3A_127 = vector.load %arg12[%swap3A_125, %swap3A_126] : memref<32x16xf32, #tpu.memory_space<vmem>>, vector<32x16xf32>
    tpu.vector_store %arg12[%swap3A_125, %swap3A_126], %select_n3A_124 {strides = array<i32>} : memref<32x16xf32, #tpu.memory_space<vmem>>, vector<32x16xf32>,
    %get3A_128 = arith.constant 0 : index
    %get3A_129 = arith.constant 0 : index
    %get3A_130 = vector.load %arg12[%get3A_128, %get3A_129] : memref<32x16xf32, #tpu.memory_space<vmem>>, vector<32x16xf32>
    %reduce_max3A_131 = vector.shape_cast %get3A_130 : vector<32x16xf32> to vector<1x32x16xf32>
    %reduce_max3A_132 = arith.constant dense<0xFF800000> : vector<1xf32>
    %reduce_max3A_133 = vector.multi_reduction <maximumf>, %reduce_max3A_131, %reduce_max3A_132 [1, 2] : vector<1x32x16xf32> to vector<1xf32>
    %reduce_max3A_134 = vector.shape_cast %reduce_max3A_133 : vector<1xf32> to vector<1x1x1xf32>
    %reduce_max3A_135 = vector.extract %reduce_max3A_134[0, 0, 0] : f32 from vector<1x1x1xf32>
    %eq3A_136 = vector.broadcast %reduce_max3A_135 : f32 to vector<32x16xf32>
    %eq3A_137 = arith.cmpf oeq, %get3A_130, %eq3A_136 : vector<32x16xf32>
    %get3A_138 = arith.constant 0 : index
    %get3A_139 = arith.constant 0 : index
    %get3A_140 = vector.load %arg1[%get3A_138, %get3A_139] : memref<32x16xi32, #tpu.memory_space<vmem>>, vector<32x16xi32>
    %jit3A_141 = arith.constant 100000 : i32
    %broadcast_in_dim3A_142 = vector.broadcast %jit3A_141 : i32 to vector<32x16xi32>
    %select_n3A_143 = arith.select %eq3A_137, %get3A_140, %broadcast_in_dim3A_142 : vector<32x16xi1>, vector<32x16xi32>
    %reduce_min3A_144 = vector.shape_cast %select_n3A_143 : vector<32x16xi32> to vector<1x32x16xi32>
    %reduce_min3A_145 = arith.constant dense<2147483647> : vector<1xi32>
    %reduce_min3A_146 = vector.multi_reduction <minsi>, %reduce_min3A_144, %reduce_min3A_145 [1, 2] : vector<1x32x16xi32> to vector<1xi32>
    %reduce_min3A_147 = vector.shape_cast %reduce_min3A_146 : vector<1xi32> to vector<1x1x1xi32>
    %reduce_min3A_148 = vector.extract %reduce_min3A_147[0, 0, 0] : i32 from vector<1x1x1xi32>
    %swap3A_149 = arith.constant 3 : index
    %swap3A_150 = memref.load %arg9[%swap3A_149] : memref<5xf32, #tpu.memory_space<smem>>
    memref.store %reduce_max3A_135, %arg9[%swap3A_149] : memref<5xf32, #tpu.memory_space<smem>>
    %dma_start3A_151 = arith.constant 3 : i32
    %dma_start3A_152 = arith.constant 0 : i32
    %dma_start3A_153 = tpu.memref_slice %arg8[%dma_start3A_151, %dma_start3A_152] : memref<5x256xf32, #tpu.memory_space<vmem>> -> memref<1x256xf32, #tpu.memory_space<vmem>>
    %dma_start3A_154 = arith.constant 0 : i32
    %dma_start3A_155 = tpu.memref_slice %arg2[%reduce_min3A_148, %dma_start3A_154] : memref<100000x256xf32, #tpu.memory_space<any>> -> memref<1x256xf32, #tpu.memory_space<any>>
    tpu.enqueue_dma source(%dma_start3A_155 : memref<1x256xf32, #tpu.memory_space<any>>) target(%dma_start3A_153 : memref<1x256xf32, #tpu.memory_space<vmem>>) target_semaphore(%arg13 : memref<!tpu.dma_semaphore, #tpu.memory_space<semaphore_mem>>)
    %dma_wait3A_156 = arith.constant 3 : i32
    %dma_wait3A_157 = arith.constant 0 : i32
    %dma_wait3A_158 = tpu.memref_slice %arg8[%dma_wait3A_156, %dma_wait3A_157] : memref<5x256xf32, #tpu.memory_space<vmem>> -> memref<1x256xf32, #tpu.memory_space<vmem>>
    %dma_wait3A_159 = arith.constant 0 : i32
    %dma_wait3A_160 = tpu.memref_slice %arg2[%reduce_min3A_148, %dma_wait3A_159] : memref<100000x256xf32, #tpu.memory_space<any>> -> memref<1x256xf32, #tpu.memory_space<any>>
    tpu.wait_dma2 semaphore(%arg13 : memref<!tpu.dma_semaphore, #tpu.memory_space<semaphore_mem>>) src(%dma_wait3A_160 : memref<1x256xf32, #tpu.memory_space<any>>) dst(%dma_wait3A_158 : memref<1x256xf32, #tpu.memory_space<vmem>>)
    %get3A_161 = arith.constant 0 : index
    %get3A_162 = arith.constant 0 : index
    %get3A_163 = vector.load %arg1[%get3A_161, %get3A_162] : memref<32x16xi32, #tpu.memory_space<vmem>>, vector<32x16xi32>
    %eq3A_164 = vector.broadcast %reduce_min3A_148 : i32 to vector<32x16xi32>
    %eq3A_165 = arith.cmpi eq, %get3A_163, %eq3A_164 : vector<32x16xi32>
    %jit3A_166 = arith.constant 0xFF800000 : f32
    %broadcast_in_dim3A_167 = vector.broadcast %jit3A_166 : f32 to vector<32x16xf32>
    %select_n3A_168 = arith.select %eq3A_165, %broadcast_in_dim3A_167, %get3A_130 : vector<32x16xi1>, vector<32x16xf32>
    %swap3A_169 = arith.constant 0 : index
    %swap3A_170 = arith.constant 0 : index
    %swap3A_171 = vector.load %arg12[%swap3A_169, %swap3A_170] : memref<32x16xf32, #tpu.memory_space<vmem>>, vector<32x16xf32>
    tpu.vector_store %arg12[%swap3A_169, %swap3A_170], %select_n3A_168 {strides = array<i32>} : memref<32x16xf32, #tpu.memory_space<vmem>>, vector<32x16xf32>,
    %get3A_172 = arith.constant 0 : index
    %get3A_173 = arith.constant 0 : index
    %get3A_174 = vector.load %arg12[%get3A_172, %get3A_173] : memref<32x16xf32, #tpu.memory_space<vmem>>, vector<32x16xf32>
    %reduce_max3A_175 = vector.shape_cast %get3A_174 : vector<32x16xf32> to vector<1x32x16xf32>
    %reduce_max3A_176 = arith.constant dense<0xFF800000> : vector<1xf32>
    %reduce_max3A_177 = vector.multi_reduction <maximumf>, %reduce_max3A_175, %reduce_max3A_176 [1, 2] : vector<1x32x16xf32> to vector<1xf32>
    %reduce_max3A_178 = vector.shape_cast %reduce_max3A_177 : vector<1xf32> to vector<1x1x1xf32>
    %reduce_max3A_179 = vector.extract %reduce_max3A_178[0, 0, 0] : f32 from vector<1x1x1xf32>
    %eq3A_180 = vector.broadcast %reduce_max3A_179 : f32 to vector<32x16xf32>
    %eq3A_181 = arith.cmpf oeq, %get3A_174, %eq3A_180 : vector<32x16xf32>
    %get3A_182 = arith.constant 0 : index
    %get3A_183 = arith.constant 0 : index
    %get3A_184 = vector.load %arg1[%get3A_182, %get3A_183] : memref<32x16xi32, #tpu.memory_space<vmem>>, vector<32x16xi32>
    %jit3A_185 = arith.constant 100000 : i32
    %broadcast_in_dim3A_186 = vector.broadcast %jit3A_185 : i32 to vector<32x16xi32>
    %select_n3A_187 = arith.select %eq3A_181, %get3A_184, %broadcast_in_dim3A_186 : vector<32x16xi1>, vector<32x16xi32>
    %reduce_min3A_188 = vector.shape_cast %select_n3A_187 : vector<32x16xi32> to vector<1x32x16xi32>
    %reduce_min3A_189 = arith.constant dense<2147483647> : vector<1xi32>
    %reduce_min3A_190 = vector.multi_reduction <minsi>, %reduce_min3A_188, %reduce_min3A_189 [1, 2] : vector<1x32x16xi32> to vector<1xi32>
    %reduce_min3A_191 = vector.shape_cast %reduce_min3A_190 : vector<1xi32> to vector<1x1x1xi32>
    %reduce_min3A_192 = vector.extract %reduce_min3A_191[0, 0, 0] : i32 from vector<1x1x1xi32>
    %swap3A_193 = arith.constant 4 : index
    %swap3A_194 = memref.load %arg9[%swap3A_193] : memref<5xf32, #tpu.memory_space<smem>>
    memref.store %reduce_max3A_179, %arg9[%swap3A_193] : memref<5xf32, #tpu.memory_space<smem>>
    %dma_start3A_195 = arith.constant 4 : i32
    %dma_start3A_196 = arith.constant 0 : i32
    %dma_start3A_197 = tpu.memref_slice %arg8[%dma_start3A_195, %dma_start3A_196] : memref<5x256xf32, #tpu.memory_space<vmem>> -> memref<1x256xf32, #tpu.memory_space<vmem>>
    %dma_start3A_198 = arith.constant 0 : i32
    %dma_start3A_199 = tpu.memref_slice %arg2[%reduce_min3A_192, %dma_start3A_198] : memref<100000x256xf32, #tpu.memory_space<any>> -> memref<1x256xf32, #tpu.memory_space<any>>
    tpu.enqueue_dma source(%dma_start3A_199 : memref<1x256xf32, #tpu.memory_space<any>>) target(%dma_start3A_197 : memref<1x256xf32, #tpu.memory_space<vmem>>) target_semaphore(%arg13 : memref<!tpu.dma_semaphore, #tpu.memory_space<semaphore_mem>>)
    %dma_wait3A_200 = arith.constant 4 : i32
    %dma_wait3A_201 = arith.constant 0 : i32
    %dma_wait3A_202 = tpu.memref_slice %arg8[%dma_wait3A_200, %dma_wait3A_201] : memref<5x256xf32, #tpu.memory_space<vmem>> -> memref<1x256xf32, #tpu.memory_space<vmem>>
    %dma_wait3A_203 = arith.constant 0 : i32
    %dma_wait3A_204 = tpu.memref_slice %arg2[%reduce_min3A_192, %dma_wait3A_203] : memref<100000x256xf32, #tpu.memory_space<any>> -> memref<1x256xf32, #tpu.memory_space<any>>
    tpu.wait_dma2 semaphore(%arg13 : memref<!tpu.dma_semaphore, #tpu.memory_space<semaphore_mem>>) src(%dma_wait3A_204 : memref<1x256xf32, #tpu.memory_space<any>>) dst(%dma_wait3A_202 : memref<1x256xf32, #tpu.memory_space<vmem>>)
    %get3A_205 = arith.constant 0 : index
    %get3A_206 = arith.constant 0 : index
    %get3A_207 = vector.load %arg1[%get3A_205, %get3A_206] : memref<32x16xi32, #tpu.memory_space<vmem>>, vector<32x16xi32>
    %eq3A_208 = vector.broadcast %reduce_min3A_192 : i32 to vector<32x16xi32>
    %eq3A_209 = arith.cmpi eq, %get3A_207, %eq3A_208 : vector<32x16xi32>
    %jit3A_210 = arith.constant 0xFF800000 : f32
    %broadcast_in_dim3A_211 = vector.broadcast %jit3A_210 : f32 to vector<32x16xf32>
    %select_n3A_212 = arith.select %eq3A_209, %broadcast_in_dim3A_211, %get3A_174 : vector<32x16xi1>, vector<32x16xf32>
    %swap3A_213 = arith.constant 0 : index
    %swap3A_214 = arith.constant 0 : index
    %swap3A_215 = vector.load %arg12[%swap3A_213, %swap3A_214] : memref<32x16xf32, #tpu.memory_space<vmem>>, vector<32x16xf32>
    tpu.vector_store %arg12[%swap3A_213, %swap3A_214], %select_n3A_212 {strides = array<i32>} : memref<32x16xf32, #tpu.memory_space<vmem>>, vector<32x16xf32>,
    %get3A_216 = arith.constant 0 : index
    %get3A_217 = arith.constant 0 : index
    %get3A_218 = vector.load %arg8[%get3A_216, %get3A_217] : memref<5x256xf32, #tpu.memory_space<vmem>>, vector<5x256xf32>
    %get3A_219 = arith.constant 0 : index
    %get3A_220 = arith.constant 0 : index
    %get3A_221 = vector.load %arg4[%get3A_219, %get3A_220] : memref<256x512xf32, #tpu.memory_space<vmem>>, vector<256x256xf32>
    %get3A_222 = arith.constant 0 : index
    %get3A_223 = arith.constant 256 : index
    %get3A_224 = vector.load %arg4[%get3A_222, %get3A_223] : memref<256x512xf32, #tpu.memory_space<vmem>>, vector<256x256xf32>
    %get3A_225 = arith.constant 0 : index
    %get3A_226 = arith.constant 0 : index
    %get3A_227 = vector.load %arg3[%get3A_225, %get3A_226] : memref<4x256xf32, #tpu.memory_space<vmem>>, vector<4x256xf32>
    %dot_general3A = arith.constant dense<0.000000e+00> : vector<4x256xf32>
    %dot_general3A_228 = tpu.matmul %get3A_227, %get3A_221, %dot_general3A {dimension_numbers = #tpu.dot_dimension_numbers<[1], [1], [0], [0], [0, 0, 1, 0], [], []>, transpose_lhs_hint = false} : vector<4x256xf32>, vector<256x256xf32>, vector<4x256xf32> -> vector<4x256xf32>
    %dot_general3A_229 = arith.constant dense<0.000000e+00> : vector<5x256xf32>
    %dot_general3A_230 = tpu.matmul %get3A_218, %get3A_224, %dot_general3A_229 {dimension_numbers = #tpu.dot_dimension_numbers<[1], [1], [0], [0], [0, 0, 1, 0], [], []>, transpose_lhs_hint = false} : vector<5x256xf32>, vector<256x256xf32>, vector<5x256xf32> -> vector<5x256xf32>
    %iota3A = tpu.iota {dimensions = array<i32: 0>} : vector<20x4xi32>
    %jit3A_231 = arith.constant 5 : i32
    %div3A = vector.broadcast %jit3A_231 : i32 to vector<20x4xi32>
    %div3A_232 = arith.divsi %iota3A, %div3A : vector<20x4xi32>
    %sign3A = arith.constant 0 : i32
    %sign3A_233 = vector.broadcast %sign3A : i32 to vector<20x4xi32>
    %sign3A_234 = arith.cmpi sgt, %iota3A, %sign3A_233 : vector<20x4xi32>
    %sign3A_235 = arith.extui %sign3A_234 : vector<20x4xi1> to vector<20x4xi32>
    %sign3A_236 = arith.constant 0 : i32
    %sign3A_237 = vector.broadcast %sign3A_236 : i32 to vector<20x4xi32>
    %sign3A_238 = arith.cmpi slt, %iota3A, %sign3A_237 : vector<20x4xi32>
    %sign3A_239 = arith.extui %sign3A_238 : vector<20x4xi1> to vector<20x4xi32>
    %sign3A_240 = arith.subi %sign3A_235, %sign3A_239 : vector<20x4xi32>
    %sign3A_241 = arith.constant 0 : i32
    %sign3A_242 = arith.cmpi sgt, %jit3A_231, %sign3A_241 : i32
    %sign3A_243 = arith.extui %sign3A_242 : i1 to i32
    %sign3A_244 = arith.constant 0 : i32
    %sign3A_245 = arith.cmpi slt, %jit3A_231, %sign3A_244 : i32
    %sign3A_246 = arith.extui %sign3A_245 : i1 to i32
    %sign3A_247 = arith.subi %sign3A_243, %sign3A_246 : i32
    %ne3A = vector.broadcast %sign3A_247 : i32 to vector<20x4xi32>
    %ne3A_248 = arith.cmpi ne, %sign3A_240, %ne3A : vector<20x4xi32>
    %rem3A = vector.broadcast %jit3A_231 : i32 to vector<20x4xi32>
    %rem3A_249 = arith.remsi %iota3A, %rem3A : vector<20x4xi32>
    %ne3A_250 = arith.constant 0 : i32
    %ne3A_251 = vector.broadcast %ne3A_250 : i32 to vector<20x4xi32>
    %ne3A_252 = arith.cmpi ne, %rem3A_249, %ne3A_251 : vector<20x4xi32>
    %and3A = arith.andi %ne3A_248, %ne3A_252 : vector<20x4xi1>
    %sub3A = arith.constant 1 : i32
    %sub3A_253 = vector.broadcast %sub3A : i32 to vector<20x4xi32>
    %sub3A_254 = arith.subi %div3A_232, %sub3A_253 : vector<20x4xi32>
    %select_n3A_255 = arith.select %and3A, %sub3A_254, %div3A_232 : vector<20x4xi1>, vector<20x4xi32>
    %iota3A_256 = tpu.iota {dimensions = array<i32: 1>} : vector<20x4xi32>
    %eq3A_257 = arith.cmpi eq, %select_n3A_255, %iota3A_256 : vector<20x4xi32>
    %convert_element_type3A = arith.extui %eq3A_257 : vector<20x4xi1> to vector<20x4xi32>
    %convert_element_type3A_258 = arith.sitofp %convert_element_type3A : vector<20x4xi32> to vector<20x4xf32>
    %iota3A_259 = tpu.iota {dimensions = array<i32: 0>} : vector<20x5xi32>
    %jit3A_260 = arith.constant 5 : i32
    %eq3A_261 = arith.constant 0 : i32
    %eq3A_262 = arith.cmpi eq, %jit3A_260, %eq3A_261 : i32
    %jit3A_263 = arith.constant 1 : i32
    %select_n3A_264 = arith.select %eq3A_262, %jit3A_263, %jit3A_260 : i32
    %rem3A_265 = vector.broadcast %select_n3A_264 : i32 to vector<20x5xi32>
    %rem3A_266 = arith.remsi %iota3A_259, %rem3A_265 : vector<20x5xi32>
    %ne3A_267 = arith.constant 0 : i32
    %ne3A_268 = vector.broadcast %ne3A_267 : i32 to vector<20x5xi32>
    %ne3A_269 = arith.cmpi ne, %rem3A_266, %ne3A_268 : vector<20x5xi32>
    %lt3A = arith.constant 0 : i32
    %lt3A_270 = vector.broadcast %lt3A : i32 to vector<20x5xi32>
    %lt3A_271 = arith.cmpi slt, %rem3A_266, %lt3A_270 : vector<20x5xi32>
    %lt3A_272 = arith.constant 0 : i32
    %lt3A_273 = arith.cmpi slt, %select_n3A_264, %lt3A_272 : i32
    %ne3A_274 = vector.broadcast %lt3A_273 : i1 to vector<20x5xi1>
    %ne3A_275 = vector.broadcast %ne3A_274 : vector<20x5xi1> to vector<20x5xi1>
    %ne3A_276 = arith.xori %lt3A_271, %ne3A_275 : vector<20x5xi1>
    %and3A_277 = arith.andi %ne3A_276, %ne3A_269 : vector<20x5xi1>
    %add3A = vector.broadcast %select_n3A_264 : i32 to vector<20x5xi32>
    %add3A_278 = arith.addi %rem3A_266, %add3A : vector<20x5xi32>
    %select_n3A_279 = arith.select %and3A_277, %add3A_278, %rem3A_266 : vector<20x5xi1>, vector<20x5xi32>
    %iota3A_280 = tpu.iota {dimensions = array<i32: 1>} : vector<20x5xi32>
    %eq3A_281 = arith.cmpi eq, %select_n3A_279, %iota3A_280 : vector<20x5xi32>
    %convert_element_type3A_282 = arith.extui %eq3A_281 : vector<20x5xi1> to vector<20x5xi32>
    %convert_element_type3A_283 = arith.sitofp %convert_element_type3A_282 : vector<20x5xi32> to vector<20x5xf32>
    %dot_general3A_284 = arith.constant dense<0.000000e+00> : vector<20x256xf32>
    %dot_general3A_285 = tpu.matmul %convert_element_type3A_258, %dot_general3A_228, %dot_general3A_284 {dimension_numbers = #tpu.dot_dimension_numbers<[1], [0], [0], [1], [0, 0, 1, 1], [], []>, transpose_lhs_hint = false} : vector<20x4xf32>, vector<4x256xf32>, vector<20x256xf32> -> vector<20x256xf32>
    %dot_general3A_286 = arith.constant dense<0.000000e+00> : vector<20x256xf32>
    %dot_general3A_287 = tpu.matmul %convert_element_type3A_283, %dot_general3A_230, %dot_general3A_286 {dimension_numbers = #tpu.dot_dimension_numbers<[1], [0], [0], [1], [0, 0, 1, 1], [], []>, transpose_lhs_hint = false} : vector<20x5xf32>, vector<5x256xf32>, vector<20x256xf32> -> vector<20x256xf32>
    %add3A_288 = arith.addf %dot_general3A_285, %dot_general3A_287 : vector<20x256xf32>
    %get3A_289 = arith.constant 0 : index
    %get3A_290 = vector.load %arg5[%get3A_289] : memref<256xf32, #tpu.memory_space<vmem>>, vector<256xf32>
    %broadcast_in_dim3A_291 = vector.shape_cast %get3A_290 : vector<256xf32> to vector<1x256xf32>
    %add3A_292 = vector.broadcast %broadcast_in_dim3A_291 : vector<1x256xf32> to vector<20x256xf32>
    %add3A_293 = arith.addf %add3A_288, %add3A_292 : vector<20x256xf32>
    %max3A = arith.constant 0.000000e+00 : f32
    %max3A_294 = vector.broadcast %max3A : f32 to vector<20x256xf32>
    %max3A_295 = arith.maximumf %add3A_293, %max3A_294 : vector<20x256xf32>
    %get3A_296 = arith.constant 0 : index
    %get3A_297 = arith.constant 0 : index
    %get3A_298 = vector.load %arg6[%get3A_296, %get3A_297] : memref<1x256xf32, #tpu.memory_space<vmem>>, vector<1x256xf32>
    %dot_general3A_299 = arith.constant dense<0.000000e+00> : vector<20x1xf32>
    %dot_general3A_300 = tpu.matmul %max3A_295, %get3A_298, %dot_general3A_299 {dimension_numbers = #tpu.dot_dimension_numbers<[1], [1], [0], [0], [0, 0, 1, 0], [], []>, transpose_lhs_hint = false} : vector<20x256xf32>, vector<1x256xf32>, vector<20x1xf32> -> vector<20x1xf32>
    %iota3A_301 = tpu.iota {dimensions = array<i32: 0>} : vector<20x5xi32>
    %jit3A_302 = arith.constant 5 : i32
    %eq3A_303 = arith.constant 0 : i32
    %eq3A_304 = arith.cmpi eq, %jit3A_302, %eq3A_303 : i32
    %jit3A_305 = arith.constant 1 : i32
    %select_n3A_306 = arith.select %eq3A_304, %jit3A_305, %jit3A_302 : i32
    %rem3A_307 = vector.broadcast %select_n3A_306 : i32 to vector<20x5xi32>
    %rem3A_308 = arith.remsi %iota3A_301, %rem3A_307 : vector<20x5xi32>
    %ne3A_309 = arith.constant 0 : i32
    %ne3A_310 = vector.broadcast %ne3A_309 : i32 to vector<20x5xi32>
    %ne3A_311 = arith.cmpi ne, %rem3A_308, %ne3A_310 : vector<20x5xi32>
    %lt3A_312 = arith.constant 0 : i32
    %lt3A_313 = vector.broadcast %lt3A_312 : i32 to vector<20x5xi32>
    %lt3A_314 = arith.cmpi slt, %rem3A_308, %lt3A_313 : vector<20x5xi32>
    %lt3A_315 = arith.constant 0 : i32
    %lt3A_316 = arith.cmpi slt, %select_n3A_306, %lt3A_315 : i32
    %ne3A_317 = vector.broadcast %lt3A_316 : i1 to vector<20x5xi1>
    %ne3A_318 = vector.broadcast %ne3A_317 : vector<20x5xi1> to vector<20x5xi1>
    %ne3A_319 = arith.xori %lt3A_314, %ne3A_318 : vector<20x5xi1>
    %and3A_320 = arith.andi %ne3A_319, %ne3A_311 : vector<20x5xi1>
    %add3A_321 = vector.broadcast %select_n3A_306 : i32 to vector<20x5xi32>
    %add3A_322 = arith.addi %rem3A_308, %add3A_321 : vector<20x5xi32>
    %select_n3A_323 = arith.select %and3A_320, %add3A_322, %rem3A_308 : vector<20x5xi1>, vector<20x5xi32>
    %iota3A_324 = tpu.iota {dimensions = array<i32: 1>} : vector<20x5xi32>
    %eq3A_325 = arith.cmpi eq, %select_n3A_323, %iota3A_324 : vector<20x5xi32>
    %convert_element_type3A_326 = arith.extui %eq3A_325 : vector<20x5xi1> to vector<20x5xi32>
    %convert_element_type3A_327 = arith.sitofp %convert_element_type3A_326 : vector<20x5xi32> to vector<20x5xf32>
    %iota3A_328 = tpu.iota {dimensions = array<i32: 0>} : vector<4x20xi32>
    %iota3A_329 = tpu.iota {dimensions = array<i32: 1>} : vector<4x20xi32>
    %jit3A_330 = arith.constant 5 : i32
    %div3A_331 = vector.broadcast %jit3A_330 : i32 to vector<4x20xi32>
    %div3A_332 = arith.divsi %iota3A_329, %div3A_331 : vector<4x20xi32>
    %sign3A_333 = arith.constant 0 : i32
    %sign3A_334 = vector.broadcast %sign3A_333 : i32 to vector<4x20xi32>
    %sign3A_335 = arith.cmpi sgt, %iota3A_329, %sign3A_334 : vector<4x20xi32>
    %sign3A_336 = arith.extui %sign3A_335 : vector<4x20xi1> to vector<4x20xi32>
    %sign3A_337 = arith.constant 0 : i32
    %sign3A_338 = vector.broadcast %sign3A_337 : i32 to vector<4x20xi32>
    %sign3A_339 = arith.cmpi slt, %iota3A_329, %sign3A_338 : vector<4x20xi32>
    %sign3A_340 = arith.extui %sign3A_339 : vector<4x20xi1> to vector<4x20xi32>
    %sign3A_341 = arith.subi %sign3A_336, %sign3A_340 : vector<4x20xi32>
    %sign3A_342 = arith.constant 0 : i32
    %sign3A_343 = arith.cmpi sgt, %jit3A_330, %sign3A_342 : i32
    %sign3A_344 = arith.extui %sign3A_343 : i1 to i32
    %sign3A_345 = arith.constant 0 : i32
    %sign3A_346 = arith.cmpi slt, %jit3A_330, %sign3A_345 : i32
    %sign3A_347 = arith.extui %sign3A_346 : i1 to i32
    %sign3A_348 = arith.subi %sign3A_344, %sign3A_347 : i32
    %ne3A_349 = vector.broadcast %sign3A_348 : i32 to vector<4x20xi32>
    %ne3A_350 = arith.cmpi ne, %sign3A_341, %ne3A_349 : vector<4x20xi32>
    %rem3A_351 = vector.broadcast %jit3A_330 : i32 to vector<4x20xi32>
    %rem3A_352 = arith.remsi %iota3A_329, %rem3A_351 : vector<4x20xi32>
    %ne3A_353 = arith.constant 0 : i32
    %ne3A_354 = vector.broadcast %ne3A_353 : i32 to vector<4x20xi32>
    %ne3A_355 = arith.cmpi ne, %rem3A_352, %ne3A_354 : vector<4x20xi32>
    %and3A_356 = arith.andi %ne3A_350, %ne3A_355 : vector<4x20xi1>
    %sub3A_357 = arith.constant 1 : i32
    %sub3A_358 = vector.broadcast %sub3A_357 : i32 to vector<4x20xi32>
    %sub3A_359 = arith.subi %div3A_332, %sub3A_358 : vector<4x20xi32>
    %select_n3A_360 = arith.select %and3A_356, %sub3A_359, %div3A_332 : vector<4x20xi1>, vector<4x20xi32>
    %eq3A_361 = arith.cmpi eq, %iota3A_328, %select_n3A_360 : vector<4x20xi32>
    %convert_element_type3A_362 = arith.extui %eq3A_361 : vector<4x20xi1> to vector<4x20xi32>
    %convert_element_type3A_363 = arith.sitofp %convert_element_type3A_362 : vector<4x20xi32> to vector<4x20xf32>
    %mul3A = vector.broadcast %dot_general3A_300 : vector<20x1xf32> to vector<20x5xf32>
    %mul3A_364 = arith.mulf %mul3A, %convert_element_type3A_327 : vector<20x5xf32>
    %dot_general3A_365 = arith.constant dense<0.000000e+00> : vector<4x5xf32>
    %dot_general3A_366 = tpu.matmul %convert_element_type3A_363, %mul3A_364, %dot_general3A_365 {dimension_numbers = #tpu.dot_dimension_numbers<[1], [0], [0], [1], [0, 0, 1, 1], [], []>, transpose_lhs_hint = false} : vector<4x20xf32>, vector<20x5xf32>, vector<4x5xf32> -> vector<4x5xf32>
    %get3A_367 = arith.constant 0 : index
    %get3A_368 = memref.load %arg7[%get3A_367] : memref<1xf32, #tpu.memory_space<smem>>
    %add3A_369 = vector.broadcast %get3A_368 : f32 to vector<4x5xf32>
    %add3A_370 = arith.addf %dot_general3A_366, %add3A_369 : vector<4x5xf32>
    %logistic3A = arith.negf %add3A_370 : vector<4x5xf32>
    %logistic3A_371 = math.exp %logistic3A : vector<4x5xf32>
    %logistic3A_372 = arith.constant 1.000000e+00 : f32
    %logistic3A_373 = vector.broadcast %logistic3A_372 : f32 to vector<4x5xf32>
    %logistic3A_374 = arith.addf %logistic3A_373, %logistic3A_371 : vector<4x5xf32>
    %logistic3A_375 = arith.divf %logistic3A_373, %logistic3A_374 : vector<4x5xf32>
    %swap3A_376 = arith.constant 0 : index
    %swap3A_377 = arith.constant 0 : index
    %swap3A_378 = vector.load %arg10[%swap3A_376, %swap3A_377] : memref<4x5xf32, #tpu.memory_space<vmem>>, vector<4x5xf32>
    tpu.vector_store %arg10[%swap3A_376, %swap3A_377], %logistic3A_375 {strides = array<i32>} : memref<4x5xf32, #tpu.memory_space<vmem>>, vector<4x5xf32>,
    %reduce_max3A_379 = vector.shape_cast %logistic3A_375 : vector<4x5xf32> to vector<1x4x5xf32>
    %reduce_max3A_380 = arith.constant dense<0xFF800000> : vector<1xf32>
    %reduce_max3A_381 = vector.multi_reduction <maximumf>, %reduce_max3A_379, %reduce_max3A_380 [1, 2] : vector<1x4x5xf32> to vector<1xf32>
    %reduce_max3A_382 = vector.shape_cast %reduce_max3A_381 : vector<1xf32> to vector<1x1x1xf32>
    %reduce_max3A_383 = vector.extract %reduce_max3A_382[0, 0, 0] : f32 from vector<1x1x1xf32>
    %swap3A_384 = arith.constant 0 : index
    %swap3A_385 = memref.load %arg11[%swap3A_384] : memref<1xf32, #tpu.memory_space<smem>>
    memref.store %reduce_max3A_383, %arg11[%swap3A_384] : memref<1xf32, #tpu.memory_space<smem>>
    return
  }
}

</mosaic_0001>

<sc_bundles>
// kernel: kernel.5.cloned.1.call-start
scs
__scs_entry_jumppad:
0x0: {  	(pc) =	sbr.rel $0x88, $3  }
0x1: {  	(tag) =	ssettag $0x0;
	lr =	simm.s32 $0x1  }
0x2: {  	[smem:$0x3F96] =	sst lr;
	_ =	strace $0xD0000000  }
0x3: {  	_ = 	snop  }
0x4: {  	_ = 	snop  }
0x5: {  	_ = 	snop  }
0x6: {  	_ = 	snop  }
0x7: {  	_ = 	snop  }
__scs_overlays_trampoline_lowered:
0x8: {  	[smem:$0x3FA5] =	sst s0  }
0x9: {  	[smem:$0x3FA6] =	sst s1  }
0xa: {  	[smem:$0x3FA7] =	sst s2  }
0xb: {  	[smem:$0x3FA8] =	sst s3  }
0xc: {  	[smem:$0x3FA9] =	sst s4  }
0xd: {  	[smem:$0x3FAA] =	sst s5  }
0xe: {  	[smem:$0x3FAB] =	sst s6  }
0xf: {  	[smem:$0x3FAC] =	sst s7  }
0x10: {  	[smem:$0x3FAD] =	sst s8  }
0x11: {  	[smem:$0x3FAE] =	sst s9;
	s0 =	simm.s32 @!p0 $0x0  }
0x12: {  	s1 =	sld [smem:$0x3F94];
	s0 =	simm.s32 @p0 $0x1  }
0x13: {  	[smem:$0x3FAF] =	sst s0;
	s0 =	simm.s32 @!p1 $0x0  }
0x14: {  	s2 =	sld [smem:$0x3F93];
	s0 =	simm.s32 @p1 $0x1  }
0x15: {  	[smem:$0x3FB0] =	sst s0;
	s0 =	simm.s32 @!p2 $0x0  }
0x16: {  	s3 =	sld [smem:$0x3FDB];
	s0 =	simm.s32 @p2 $0x1  }
0x17: {  	s4 =	simm.s32 $0x1BF5;
	[smem:$0x3FB2] =	sst s0  }
0x18: {  	s0 =	sld [smem:$0x3F95];
	_ =	swait.ge [sflag:s4], $0x0  }
0x19: {  	s7 =	sld [smem:$0x3F96]  }
0x1a: {  	s8 =	sadd.s32 $0xFFFFE003, lr  }
0x1b: {  	s9 =	sadd.s32 $0xFFFFFEF7, lr;
	s5 =	simm.s32 $0xFFFFFFFF;
	p2 =	slt.u32 s8, $0xFFFFF086  }
0x1c: {  	p1 =	slt.u32 s9, $0xF7A;
	s5 =	simm.s32 @!p2 $0x0  }
0x1d: {  	s5 =	simm.s32 @p1 $0x1;
	p0 =	seq.s32 s7, s2  }
0x1e: {  	s7 =	smul.u32 @!p0 $0xF7A, s2;
	p2 =	seq.s32 @!p0 s5, $0x0  }
0x1f: {  	s9 =	smul.u32 $0xF7A, s1;
	s8 =	simm.s32 @!p0 $0x1BF5;
	p2 =	por !p2, p0  }
0x20: {  	[sflag:s8] =	ssyncset.s32 @!p0 $0xFFFFF086;
	s6 =	sadd.s32 @!p0 s3, s7;
	s7 =	simm.s32 @!p0 $0x108  }
0x21: {  	s3 =	sadd.s32 s3, s9;
	s6 =	sadd.s32 @!p0 $0x88, s6;
	s7 =	simm.s32 @p2 $0x1082  }
0x22: {  	[simem:s7], [sflag:s8] =	dma.local @!p0 [hbm:s6], $0xF7A  }
0x23: {  	s9 =	sor.u32 $0xD0000000, s2;
	s6 =	simm.s32 $0x108;
	_ =	swait.ge @!p0 [sflag:s8], $0x0  }
0x24: {  	s3 =	sadd.s32 $0x88, s3;
	s6 =	simm.s32 @!p1 $0x1082;
	[sflag:s4] =	ssyncset.s32 $0xFFFFF086  }
0x25: {  	[simem:s6], [sflag:s4] =	dma.local [hbm:s3], $0xF7A  }
0x26: {  	[smem:$0x3F96] =	sst s1;
	(tag) =	ssettag s2;
	_ =	strace s9  }
0x27: {  	s1 =	sld [smem:$0x3FA6]  }
0x28: {  	s2 =	sld [smem:$0x3FA7]  }
0x29: {  	s4 =	sld [smem:$0x3FA9]  }
0x2a: {  	p0 =	seq.s32 s5, $0x0;
	s5 =	sld [smem:$0x3FAA]  }
0x2b: {  	s6 =	sld [smem:$0x3FAB]  }
0x2c: {  	s7 =	sld [smem:$0x3FAC]  }
0x2d: {  	s3 =	simm.s32 $0x108;
	s8 =	sld [smem:$0x3FAD]  }
0x2e: {  	s3 =	simm.s32 @!p0 $0x1082;
	s9 =	sld [smem:$0x3FAE]  }
0x2f: {  	lr =	sadd.s32 s0, s3;
	s0 =	sld [smem:$0x3FA5]  }
0x30: {  	s3 =	sld [smem:$0x3FA8]  }
0x31: {  	[smem:$0x3FB1] =	sst s10  }
0x32: {  	s10 =	sld [smem:$0x3FAF];
	_ =	sdelay $0x3  }
0x33: {  	p0 =	seq.s32 s10, $0x1;
	s10 =	sld [smem:$0x3FB1];
	_ =	sdelay $0x3  }
0x34: {  	[smem:$0x3FB1] =	sst s10  }
0x35: {  	s10 =	sld [smem:$0x3FB0];
	_ =	sdelay $0x3  }
0x36: {  	p1 =	seq.s32 s10, $0x1;
	s10 =	sld [smem:$0x3FB1];
	_ =	sdelay $0x3  }
0x37: {  	[smem:$0x3FB1] =	sst s10  }
0x38: {  	s10 =	sld [smem:$0x3FB2]  }
0x39: {  	_ = 	snop;
	(pc) =	sbr.ind lr, $3  }
0x3a: {  	_ = 	snop  }
0x3b: {  	_ = 	snop  }
0x3c: {  	p2 =	seq.s32 s10, $0x1;
	s10 =	sld [smem:$0x3FB1]  }
0x3d: {  	_ =	shalt  }
0x3e: {  	_ =	shalt  }
0x3f: {  	_ =	shalt  }
0x40: {  	_ =	shalt  }
0x41: {  	_ =	shalt  }
0x42: {  	_ =	shalt  }
0x43: {  	_ =	shalt  }
0x44: {  	_ =	shalt  }
0x45: {  	_ =	shalt  }
0x46: {  	_ =	shalt  }
0x47: {  	_ =	shalt  }
0x48: {  	_ =	shalt  }
0x49: {  	_ =	shalt  }
0x4a: {  	_ =	shalt  }
0x4b: {  	_ =	shalt  }
0x4c: {  	_ =	shalt  }
0x4d: {  	_ =	shalt  }
0x4e: {  	_ =	shalt  }
0x4f: {  	_ =	shalt  }
0x50: {  	_ =	shalt  }
0x51: {  	_ =	shalt  }
0x52: {  	_ =	shalt  }
0x53: {  	_ =	shalt  }
0x54: {  	_ =	shalt  }
0x55: {  	_ =	shalt  }
0x56: {  	_ =	shalt  }
0x57: {  	_ =	shalt  }
0x58: {  	_ =	shalt  }
0x59: {  	_ =	shalt  }
0x5a: {  	_ =	shalt  }
0x5b: {  	_ =	shalt  }
0x5c: {  	_ =	shalt  }
0x5d: {  	_ =	shalt  }
0x5e: {  	_ =	shalt  }
0x5f: {  	_ =	shalt  }
0x60: {  	_ =	shalt  }
0x61: {  	_ =	shalt  }
0x62: {  	_ =	shalt  }
0x63: {  	_ =	shalt  }
0x64: {  	_ =	shalt  }
0x65: {  	_ =	shalt  }
0x66: {  	_ =	shalt  }
0x67: {  	_ =	shalt  }
0x68: {  	_ =	shalt  }
0x69: {  	_ =	shalt  }
0x6a: {  	_ =	shalt  }
0x6b: {  	_ =	shalt  }
0x6c: {  	_ =	shalt  }
0x6d: {  	_ =	shalt  }
0x6e: {  	_ =	shalt  }
0x6f: {  	_ =	shalt  }
0x70: {  	_ =	shalt  }
0x71: {  	_ =	shalt  }
0x72: {  	_ =	shalt  }
0x73: {  	_ =	shalt  }
0x74: {  	_ =	shalt  }
0x75: {  	_ =	shalt  }
0x76: {  	_ =	shalt  }
0x77: {  	_ =	shalt  }
0x78: {  	_ =	shalt  }
0x79: {  	_ =	shalt  }
0x7a: {  	_ =	shalt  }
0x7b: {  	_ =	shalt  }
0x7c: {  	_ =	shalt  }
0x7d: {  	_ =	shalt  }
0x7e: {  	_ =	shalt  }
0x7f: {  	_ =	shalt  }
0x80: {  	_ =	shalt  }
0x81: {  	_ =	shalt  }
0x82: {  	_ =	shalt  }
0x83: {  	_ =	shalt  }
0x84: {  	_ =	shalt  }
0x85: {  	_ =	shalt  }
0x86: {  	_ =	shalt  }
0x87: {  	_ =	shalt  }
.Lfunc_end0:
.L_simem_size_0:
called_computation_lowered:
.L_overlay_start_0:
0x88: {  	s2 =	sld [smem:$0x3FD9]  }
0x89: {  	s3 =	sld [smem:$0x3FFE];
	_ =	sdelay $0x1  }
0x8a: {  	s1 =	srdreg.scid  }
0x8b: {  	s0 =	sand.u32 $0x1, s1  }
0x8c: {  	s16 =	sshll.u32 s0, $0xA;
	s2 =	sadd.s32 s3, s2  }
0x8d: {  	s2 =	sadd.s32 s2, s16  }
0x8e: {  	[smem:$0x3FBD] =	sst s2  }
0x8f: {  	_ = 	snop  }
0x90: {  	(tm) =	ssettm $0x1  }
0x91: {  	s17 =	sld [smem:$0x3FFB];
	_ =	sdelay $0x3  }
0x92: {  	_ =	strace s17  }
0x93: {  	s2 =	sld [smem:$0x3FFC];
	_ =	sdelay $0x3  }
0x94: {  	_ =	strace s2  }
0x95: {  	s2 =	sld [smem:$0x3FFD];
	_ =	sdelay $0x3  }
0x96: {  	_ =	strace s2  }
0x97: {  	_ =	strace $0x8FFFFFFF  }
0x98: {  	s18 =	sld [smem:$0x3FDB];
	_ =	sdelay $0x1  }
0x99: {  	s19 =	simm.s32 $_scs_section_size  }
0x9a: {  	s4 =	simm.s32 $_size__tile_overlayer_lowered;
	s5 =	simm.s32 $_tile_overlayer_lowered  }
0x9b: {  	s22 =	simm.s32 $0x1BFF;
	s21 =	sshll.u32 s5, $0x1;
	s2 =	sadd.s32 s19, s18  }
0x9c: {  	s6 =	simm.s32 $0x0;
	s20 =	sshll.u32 s4, $0x1;
	s4 =	sadd.s32 s21, s2  }
0x9d: {  	[timem:s6], [sflag:s22] =	dma.local [hbm:s4], s20  }
0x9e: {  	_ =	swait.ge [sflag:s22], s20  }
0x9f: {  	s3 =	ssub.s32 $0x0, s20;
	[sflag:s22] =	ssyncset.done $0x0  }
0xa0: {  	[sflag:s22] =	ssyncadd.s32 s3;
	_ =	sdelay $0x1  }
0xa1: {  	s23 =	simm.s32 $0x1B8B  }
0xa2: {  	_ =	swait.ge [sflag:s23], $0x1  }
0xa3: {  	[sflag:s23] =	ssyncset.done $0x0  }
0xa4: {  	s25 =	simm.s32 $0x1B8E;
	s24 =	sld [smem:$0x3FFE];
	[sflag:s23] =	ssyncadd.s32 $0xFFFFFFFF  }
0xa5: {  	s26 =	simm.s32 $execute0_lowered;
	[smem:$0x3FD2] =	sst s25  }
0xa6: {  	s4 =	sshll.u32 s26, $0x1;
	_ =	strace $0x80000046;
	[dreg:$0x1] =	wrdreg $0xFFFFFFFF  }
0xa7: {  	s28 =	simm.s32 $_size_execute0_lowered;
	s2 =	sadd.s32 s2, s4;
	[dreg:$0x0] =	wrdreg $0x0  }
0xa8: {  	s4 =	sshll.u32 s28, $0x1;
	[dreg:$0x2] =	wrdreg s2  }
0xa9: {  	[dreg:$0x3] =	wrdreg s4  }
0xaa: {  	[dreg:$0x4] =	wrdreg $0xC0  }
0xab: {  	_ =	task [dreg:s6], $0x5FFFF  }
0xac: {  	[dreg:$0x1] =	wrdreg $0xFFFFFFFF  }
0xad: {  	[dreg:$0x0] =	wrdreg $0x60  }
0xae: {  	[dreg:$0x2] =	wrdreg s24  }
0xaf: {  	[dreg:$0x3] =	wrdreg $0x9  }
0xb0: {  	_ =	task.clear_ibuf [dreg:s6], $0x4FFFF;
	_ =	strace $0x90000046  }
0xb1: {  	s29 =	simm.s32 $0x9;
	_ =	strace $0x80000048  }
0xb2: {  	_ =	swait.ge [sflag:s29], $0x1  }
0xb3: {  	[sflag:s29] =	ssyncadd.s32 $0xFFFFFFFF  }
0xb4: {  	_ =	strace $0x90000048  }
0xb5: {  	_ =	sfence  }
0xb6: {  	s30 =	sld [smem:$0x0];
	_ =	sdelay $0x2  }
0xb7: {  	s31 =	sshll.u32 s1, $0xD;
	s1 =	sshrl.u32 s1, $0x2  }
0xb8: {  	s3 =	sand.u32 $0x4000, s31;
	s1 =	sadd.s32 s1, s30  }
0xb9: {  	s0 =	sor.u32 s3, s0;
	s1 =	sshll.u32 s1, $0x11  }
0xba: {  	s0 =	sor.u32 s1, s0  }
0xbb: {  	s0 =	sadd.s32 $0x8F2B, s0  }
0xbc: {  	[sflag:s0] =	ssyncadd.remote.s32 $0x1  }
0xbd: {  	_ =	sfence.sel $0xFFFF  }
0xbe: {  	[dreg:$0x0] =	wrdreg $0xFFFFFFFF;
	(pc) =	sbr.abs _section_cstart, $3  }
0xbf: {  	[dreg:$0x1] =	wrdreg $0xFFFFFFFF  }
0xc0: {  	_ =	task.clear_ibuf [dreg:s6], $0x2FFFF;
	_ =	strace $0x9FFFFFFF  }
0xc1: {  	(tm) =	ssettm $0x7FFFFFFF  }
tec
execute0_lowered:
.L_overlay_start_1:
0x0: {  	(tag) =	ssettag $0x1  }
0x1: {  	s0 =	srdreg.scid;
	s4 =	rddreg [dreg:$0x0];
	s2 =	simm.s32 $0x0  }
0x2: {  	s10 =	simm.s32 $0xD80;
	s11 =	simm.s32 $0x0;
	s3 =	sand.u32 $0x1, s0  }
0x3: {  	s0 =	stileid.u32;
	[smem:$0x7FF] =	sst s2;
	s1 =	sshll.u32 s3, $0x4  }
0x4: {  	s7 =	sshll.u32 s0, $0x4;
	s8 =	ssub.s32 $0x2, s3;
	s9 =	smul.u32 $0xD000, s3  }
0x5: {  	s31 =	smul.u32 $0xD00, s0;
	s5 =	sor.u32 s0, s1;
	s1 =	rddreg [dreg:$0x1]  }
0x6: {  	_ =	strace $0x80000047;
	s6 =	smul.u32 $0xD00, s5;
	s5 =	sshll.u32 s5, $0x4  }
0x7: {  	s7 =	sand.u32 $0x70, s7;
	s30 =	sshrl.u32 s8, $0x1;
	s5 =	sand.u32 $0x180, s5  }
0x8: {  	s6 =	sshrl.u32 s6, $0x3;
	s5 =	sor.u32 s7, s5;
	s7 =	ssub.s32 s8, s30  }
0x9: {  	s8 =	simm.s32 $0x1;
	s6 =	sadd.s32 s6, s4;
	s5 =	sadd.s32 s5, s4  }
0xa: {  	s3 =	sadd.s32 $0x1E00, s6;
	s4 =	sadd.s32 $0x5200, s5;
	s5 =	sadd.s32 $0x5400, s5  }
0xb: {  	v0 =	vlaneseq.u32;
	s6 =	smax.u32 s7, $0x1;
	s7 =	sadd.s32 s31, s9;
	s9 =	simm.s32 $0xD00  }
.LBB2_1:
0xc: {  	[tilespmem:s2], [sflag:$0x1] =	stream.linear.gather [hbm4b:s3+s2], $0xD00, $0x38;
	[tilespmem:$0xE00] =	vst v63  }
0xd: {  	_ =	swait.ge [sflag:s8], $0xD00  }
0xe: {  	[sflag:s8] =	ssyncset.done $0x0  }
0xf: {  	s12 =	simm.s32 $0x0;
	[sflag:s8] =	ssyncadd.s32 $0xFFFFF300  }
0x10: {  	v1 =	vld [tilespmem:s12+$0x0];
	_ =	sdelay $0x3  }
0x11: {  	v2 =	vor.u32 s7, v0  }
0x12: {  	v3 =	vimm.f32 $-Inf;
	v4 =	vimm.s32 $0x0;
	(xrf1) =	vsort.dscd.msk.f32 $0xffff, v1, v2  }
0x13: {  	(xrf1) =	vsort.ascd.msk.f32 $0xffff, v3, v4;
	_ =	sdelay $0x9  }
0x14: {  	s31 =	simm.s32 $0x10  }
0x15: {  	s13 =	simm.s32 $0x80;
	s12 =	smov.u32 s7;
	v1 =	vld [tilespmem:s31+$0x0]  }
.LBB2_2:
0x16: {  	p0 =	sne.s32 s13, $0x33C0  }
0x17: {  	v2, v3, _ =	vpop (xrf1)  }
0x18: {  	s12 =	sadd.s32 $0x10, s12;
	v4, v5, _ =	vpop (xrf1)  }
0x19: {  	v6 =	vor.u32 s12, v0;
	vm0 =	vge.f32 v2, v4  }
0x1a: {  	(xrf1) =	vsort.dscd.msk.f32 $0xffff, v1, v6;
	v1 =	vsel vm0, v2, v4;
	v2 =	vsel vm0, v3, v5  }
0x1b: {  	(xrf1) =	vsort.ascd.msk.f32 $0xffff, v1, v2;
	_ =	sdelay $0x6  }
.Ltmp0:
0x1c: {  	(pc) =	sbr.rel @p0 .LBB2_2-.Ltmp0, $3  }
0x1d: {  	_ =	sdelay $0x1  }
0x1e: {  	s14 =	sshra.s32 s13, $0x2  }
0x1f: {  	s13 =	sadd.s32 $0x40, s13;
	v1 =	vld [tilespmem:s14+$0x0]  }
0x20: {  	_ = 	snop  }
0x21: {  	v2, v3, _ =	vpop (xrf1)  }
0x22: {  	s12 =	sadd.s32 $0x10, s12;
	v4, v5, _ =	vpop (xrf1)  }
0x23: {  	v6 =	vor.u32 s12, v0;
	vm0 =	vge.f32 v2, v4  }
0x24: {  	(xrf1) =	vsort.dscd.msk.f32 $0xffff, v1, v6;
	v1 =	vsel vm0, v2, v4;
	v2 =	vsel vm0, v3, v5  }
0x25: {  	(xrf1) =	vsort.ascd.msk.f32 $0xffff, v1, v2;
	_ =	sdelay $0xc  }
0x26: {  	v1, v2, _ =	vpop (xrf1)  }
0x27: {  	v3, v63, _ =	vpop (xrf1)  }
0x28: {  	vm15 =	vge.f32 v1, v3  }
0x29: {  	v1 =	vsel vm15, v1, v3  }
0x2a: {  	v2 =	vsel vm15, v2, v63;
	[tilespmem:$0xD00] =	vst v1  }
0x2b: {  	[tilespmem:$0xD80] =	vst v2  }
0x2c: {  	[hbm4b:s4+s2] =	stream.linear.scatter [tilespmem:s9], [sflag:$0x1], $0x80, $0x38;
	[tilespmem:$0xE00] =	vst v63  }
0x2d: {  	s11 =	sadd.s32 $0x1, s11;
	_ =	swait.ge [sflag:s8], $0x80  }
0x2e: {  	p0 =	sne.s32 s11, s6;
	[sflag:s8] =	ssyncset.done $0x0  }
.Ltmp1:
0x2f: {  	[sflag:s8] =	ssyncadd.s32 $0xFFFFFF80;
	(pc) =	sbr.rel @p0 .LBB2_1-.Ltmp1, $4  }
0x30: {  	[hbm4b:s5+s2] =	stream.linear.scatter [tilespmem:s10], [sflag:$0x1], $0x80, $0x38;
	[tilespmem:$0xE00] =	vst v63  }
0x31: {  	_ =	swait.ge [sflag:s8], $0x80  }
0x32: {  	[sflag:s8] =	ssyncset.done $0x0  }
0x33: {  	[sflag:s8] =	ssyncadd.s32 $0xFFFFFF80  }
0x34: {  	_ =	sfence.sel $0x180000  }
0x35: {  	[bflag:$0x0] =	sbarrier.arrive $0xFFFF  }
0x36: {  	p0 =	sne.s32 s0, $0x0;
	_ =	strace $0x90000047  }
0x37: {  	s0 =	sadd.s32 @!p0 $0x100000, s1;
	[bflag:$0x2] =	sbarrier.arrive $0xFFFF  }
0x38: {  	[sflag:s0] =	ssyncadd.tile.s32 @!p0 $0x1;
	_ =	shalt  }
.Lfunc_end2:
_tile_overlayer_lowered:
.L_overlay_start_2:
0x39: {  	(tag) =	ssettag $0x2  }
0x3a: {  	s0 =	rddreg [dreg:$0x0];
	s2 =	stileid.u32  }
0x3b: {  	s1 =	rddreg [dreg:$0x1];
	p0 =	sne.s32 s2, $0x0  }
0x3c: {  	s3 =	rddreg [dreg:$0x2];
	[bflag:$0x3] =	sbarrier.arrive $0xFFFF;
	s2 =	simm.s32 @!p0 $0x1C01  }
0x3d: {  	[timem:s3], [sflag:s2] =	dma.local @!p0 [hbm:s0], s1  }
0x3e: {  	s0 =	simm.s32 @!p0 $0x1  }
0x3f: {  	_ =	swait.ge @!p0 [sflag:s0], s1  }
0x40: {  	s1 =	ssub.s32 @!p0 $0x0, s1;
	[sflag:s0] =	ssyncset.done @!p0 $0x0  }
0x41: {  	[sflag:s0] =	ssyncadd.s32 @!p0 s1  }
0x42: {  	[bflag:$0x3] =	sbarrier.arrive $0xFFFF  }
0x43: {  	_ =	shalt  }

</sc_bundles>
